<compile_context>
chip_gen: v7x
topology: tpu7x:2x2x1
jax: 0.10.2.dev20260603
libtpu: 0.0.44.dev20260713+nightly
codegen_flags: <defaults>
</compile_context>

<pallas_src>
import jax
import jax.numpy as jnp
from jax import lax
from jax.experimental import pallas as pl
from jax.experimental.pallas import tpu as pltpu
from jax.experimental.pallas import tpu_sc as plsc

IN, HID, OUT = 784, 400, 10
THRESH = 0.5
NLANE = 16
NGROUP = HID // NLANE
NBLK1 = IN // NLANE
PAD1 = IN
PAD2 = HID
W1COLS = IN + 17
W2COLS = HID + 17
NEG = float("-inf")
POS = float("inf")


def _compact(src_load, nblocks, idx_ref, pad_idx):
    lanes = lax.iota(jnp.int32, NLANE)

    def blk(b, cntv):
        av = src_load(b)
        mask = av > 0.0
        cum = plsc.cumsum(jnp.where(mask, 1, 0).astype(jnp.int32))
        pos = cntv + cum - 1
        plsc.store_scatter(idx_ref, [pos], lanes + b * NLANE, mask=mask)
        return cntv + plsc.all_reduce_population_count(mask)

    cntv = lax.fori_loop(0, nblocks, blk, jnp.zeros((NLANE,), jnp.int32))
    plsc.store_scatter(idx_ref, [cntv + lanes],
                       jnp.full((NLANE,), pad_idx, jnp.int32))
    return cntv[0]


def _snn_body(inv_hbm, w1_hbm, w2_hbm, out_hbm,
              w1t, inv, w2t, statloc, statall, outbuf, idx1, idx2,
              sem, statsh):
    w = lax.axis_index("s")
    lanes = lax.iota(jnp.int32, NLANE)
    zero = jnp.zeros((NLANE,), jnp.float32)
    ninf = jnp.full((NLANE,), NEG)
    pinf = jnp.full((NLANE,), POS)

    @pl.when(w * 2 * NLANE < HID)
    def _stage1():
        for gl in range(2):
            g = 2 * w + gl

            @pl.when(g * NLANE < HID)
            def _():
                pltpu.async_copy(
                    w1_hbm.at[pl.ds(g * NLANE, NLANE), :],
                    w1t.at[pl.ds(gl * NLANE, NLANE), pl.ds(0, IN)], sem)

        @pl.when(w == 0)
        def _():
            pltpu.async_copy(w2_hbm, w2t.at[pl.ds(0, OUT), pl.ds(0, HID)],
                             sem)

        with jax.named_scope("p_inv_compact"):
            pltpu.sync_copy(inv_hbm, inv)
            cnt = _compact(lambda b: inv[pl.ds(b * NLANE, NLANE)],
                           NBLK1, idx1, PAD1)

        def wait_w1():
            pltpu.make_async_copy(
                w1_hbm.at[pl.ds(0, NLANE), :],
                w1t.at[pl.ds(0, NLANE), pl.ds(0, IN)], sem).wait()

        with jax.named_scope("p_w1_wait"):
            wait_w1()

            @pl.when((2 * w + 1) * NLANE < HID)
            def _():
                wait_w1()

        rows0 = lanes
        rows1 = lanes + NLANE
        for gl in range(2):
            plsc.store_scatter(
                w1t, [lanes + gl * NLANE,
                      jnp.full((NLANE,), PAD1, jnp.int32)], zero)

        nb = lax.shift_right_logical(cnt + 7, 3)

        def step(k, carry):
            s0, M0, m0, s1, M1, m1 = carry
            idxv = idx1[pl.ds(k * 8, NLANE)]
            for j in range(8):
                ci = jnp.full((NLANE,), idxv[j], jnp.int32)
                c0 = plsc.load_gather(w1t, [rows0, ci])
                c1 = plsc.load_gather(w1t, [rows1, ci])
                s0 = s0 + c0
                s1 = s1 + c1
                M0 = jnp.maximum(M0, s0)
                m0 = jnp.minimum(m0, s0)
                M1 = jnp.maximum(M1, s1)
                m1 = jnp.minimum(m1, s1)
            return (s0, M0, m0, s1, M1, m1)

        with jax.named_scope("p_loop1"):
            s0, M0, m0, s1, M1, m1 = lax.fori_loop(
                0, nb, step, (zero, ninf, pinf, zero, ninf, pinf))

        for gl, (s, M, m) in enumerate(((s0, M0, m0), (s1, M1, m1))):
            g = 2 * w + gl

            @pl.when(g * NLANE < HID)
            def _():
                statloc[0] = jnp.where(s > THRESH, 1.0, 0.0).astype(jnp.float32)
                statloc[1] = M
                statloc[2] = m
                pltpu.sync_copy(statloc, statsh.at[g])

    with jax.named_scope("p_barrier"):
        plsc.subcore_barrier()

    @pl.when(w == 0)
    def _stage2():
        pltpu.sync_copy(statsh, statall)

        def red(r, carry):
            Ma, ma = carry
            return (jnp.maximum(Ma, statall[r, 1]),
                    jnp.minimum(ma, statall[r, 2]))

        Ma, ma = lax.fori_loop(0, NGROUP, red, (ninf, pinf))
        smax1 = jnp.max(Ma)
        smin1 = jnp.min(ma)

        cnt2 = _compact(lambda r: statall[r, 0], NGROUP, idx2, PAD2)
        rows2 = jnp.minimum(lanes, OUT - 1)
        plsc.store_scatter(
            w2t, [lanes, jnp.full((NLANE,), PAD2, jnp.int32)], zero)
        pltpu.make_async_copy(
            w2_hbm, w2t.at[pl.ds(0, OUT), pl.ds(0, HID)], sem).wait()
        nb2 = lax.shift_right_logical(cnt2 + 7, 3)

        def step2(k, carry):
            s2, M2, m2 = carry
            idxv = idx2[pl.ds(k * 8, NLANE)]
            for j in range(8):
                ci = jnp.full((NLANE,), idxv[j], jnp.int32)
                col = plsc.load_gather(w2t, [rows2, ci])
                s2 = s2 + col
                M2 = jnp.maximum(M2, s2)
                m2 = jnp.minimum(m2, s2)
            return (s2, M2, m2)

        with jax.named_scope("p_loop2"):
            s2, M2, m2 = lax.fori_loop(
                0, nb2, step2,
                (zero, jnp.full((NLANE,), smax1), jnp.full((NLANE,), smin1)))

        valid = lanes < OUT
        smax = jnp.max(jnp.where(valid, M2, ninf))
        smin = jnp.min(jnp.where(valid, m2, pinf))
        outbuf[pl.ds(0, NLANE)] = jnp.where(s2 > THRESH, 1.0,
                                            0.0).astype(jnp.float32)
        outbuf[pl.ds(NLANE, NLANE)] = jnp.full((NLANE,), smax)
        outbuf[pl.ds(2 * NLANE, NLANE)] = jnp.full((NLANE,), smin)
        pltpu.sync_copy(outbuf, out_hbm)


@jax.jit
def _snn(input_vec, W1, W2):
    run = pl.kernel(
        _snn_body,
        out_type=jax.ShapeDtypeStruct((3 * NLANE,), jnp.float32),
        mesh=plsc.VectorSubcoreMesh(
            core_axis_name="c", subcore_axis_name="s", num_cores=1),
        compiler_params=pltpu.CompilerParams(
            use_tc_tiling_on_sc=False, needs_layout_passes=False),
        scratch_types=[
            pltpu.VMEM((2 * NLANE, W1COLS), jnp.float32),
            pltpu.VMEM((IN,), jnp.float32),
            pltpu.VMEM((NLANE, W2COLS), jnp.float32),
            pltpu.VMEM((3, NLANE), jnp.float32),
            pltpu.VMEM((2 * NGROUP, 3, NLANE), jnp.float32),
            pltpu.VMEM((3 * NLANE,), jnp.float32),
            pltpu.VMEM((IN + NLANE,), jnp.int32),
            pltpu.VMEM((HID + NLANE,), jnp.int32),
            pltpu.SemaphoreType.DMA,
            pltpu.VMEM_SHARED((2 * NGROUP, 3, NLANE), jnp.float32),
        ],
    )
    return run(input_vec, W1, W2)


def kernel(input_vec, W1, W2):
    out = _snn(input_vec, W1, W2)
    return out[:OUT], out[NLANE], out[2 * NLANE]

# --- scband reference (transcript-rebuilt; emitter-appended) ---
"""Pipeline reference for scband-snn-mlp-39840116637822 (READ-ONLY COPY).

The authoritative reference and input builder live on the scoring server;
editing this copy changes nothing except your own understanding.
"""

import jax, jax.numpy as jnp
import numpy as np

IN, HID, OUT = 784, 400, 10
THRESH = 0.5
DECAY = 0.2


def setup_inputs(seed: int = 0) -> dict:
    key = jax.random.key(seed)
    k1, k2, k3 = jax.random.split(key, 3)
    # binary {0,1} spike input vector, as expected by the SNN
    input_vec = (jax.random.uniform(k1, (IN,)) > 0.5).astype(jnp.float32)
    # learned params (nn.Linear weights, bias=False): fc1 [HID, IN], fc2 [OUT, HID]
    W1 = jax.random.normal(k2, (HID, IN), dtype=jnp.float32) * (1.0 / np.sqrt(IN))
    W2 = jax.random.normal(k3, (OUT, HID), dtype=jnp.float32) * (1.0 / np.sqrt(HID))
    return {"input_vec": input_vec, "W1": W1, "W2": W2}


def _run(input_vec, W1, W2):
    # Faithful event-driven step. The torch code iterates over nonzero input
    # indices in ascending order, accumulating the corresponding weight column
    # and snapshotting membrane max/min AFTER each accumulation (pre-fire).
    # Since input_vec / h1_spiked are binary, iterating over ALL indices with a
    # multiplicative gate (a * column) and updating extrema only when the gate
    # is active is exactly equivalent (inactive steps leave the membrane and
    # extrema unchanged).
    W1T = W1.T  # [IN, HID], row gather per event
    W2T = W2.T  # [HID, OUT]

    def step1(carry, idx):
        h1, smax, smin = carry
        a = input_vec[idx]
        h1 = h1 + a * W1T[idx]
        active = a > 0
        smax = jnp.where(active, jnp.maximum(smax, jnp.max(h1)), smax)
        smin = jnp.where(active, jnp.minimum(smin, jnp.min(h1)), smin)
        return (h1, smax, smin), None

    init1 = (jnp.zeros((HID,), jnp.float32),
             jnp.array(-jnp.inf, jnp.float32),
             jnp.array(jnp.inf, jnp.float32))
    (h1_mem, smax, smin), _ = jax.lax.scan(step1, init1, jnp.arange(IN))

    h1_spiked = (h1_mem > THRESH).astype(jnp.float32)  # ActFun: x.gt(thresh).float()
    h1_mem = h1_mem * (1.0 - h1_spiked)                # reset fired neurons to 0

    def step2(carry, h):
        h2, smax, smin = carry
        s = h1_spiked[h]
        h2 = h2 + s * W2T[h]
        active = s > 0
        smax = jnp.where(active, jnp.maximum(smax, jnp.max(h2)), smax)
        smin = jnp.where(active, jnp.minimum(smin, jnp.min(h2)), smin)
        return (h2, smax, smin), None

    init2 = (jnp.zeros((OUT,), jnp.float32), smax, smin)
    (h2_mem, smax, smin), _ = jax.lax.scan(step2, init2, jnp.arange(HID))

    h2_spiked = (h2_mem > THRESH).astype(jnp.float32)
    h2_mem = h2_mem * (1.0 - h2_spiked)
    h1_mem = h1_mem * DECAY  # leak (state update; not returned, kept for fidelity)
    h2_mem = h2_mem * DECAY
    return h2_spiked, smax, smin


def reference(input_vec, W1, W2):
    return _run(input_vec, W1, W2)

if __name__ == "__main__":
    import jax
    _d = setup_inputs()
    print(jax.jit(kernel)(*tuple(_d.values())))

</pallas_src>

<mosaic_0001>
#map = affine_map<(d0, d1) -> (0)>
#map1 = affine_map<(d0, d1) -> (0, 0)>
module attributes {stable_mosaic.version = 14 : i64} {
  func.func @_snn_body(%arg0: i32, %arg1: i32, %arg2: memref<784xf32, #tpu.memory_space<hbm>>, %arg3: memref<400x784xf32, #tpu.memory_space<hbm>>, %arg4: memref<10x400xf32, #tpu.memory_space<hbm>>, %arg5: memref<48xf32, #tpu.memory_space<hbm>>, %arg6: memref<32x801xf32, #tpu.memory_space<vmem>>, %arg7: memref<784xf32, #tpu.memory_space<vmem>>, %arg8: memref<16x417xf32, #tpu.memory_space<vmem>>, %arg9: memref<3x16xf32, #tpu.memory_space<vmem>>, %arg10: memref<50x3x16xf32, #tpu.memory_space<vmem>>, %arg11: memref<48xf32, #tpu.memory_space<vmem>>, %arg12: memref<800xi32, #tpu.memory_space<vmem>>, %arg13: memref<416xi32, #tpu.memory_space<vmem>>, %arg14: memref<!tpu.dma_semaphore, #tpu.memory_space<semaphore_mem>>, %arg15: memref<50x3x16xf32, #tpu.memory_space<vmem_shared>>) attributes {dimension_semantics = [#tpu.dimension_semantics<core_parallel>, #tpu.dimension_semantics<subcore_parallel>], iteration_bounds = array<i64: 1, 16>, scalar_prefetch = 0 : i64, scratch_operands = 10 : i64, tpu.core_type = #tpu.core_type<sc_vector_subcore>, window_params = [{transform_indices = #map}, {transform_indices = #map1}, {transform_indices = #map1}, {transform_indices = #map}]} {
    %iota3A = tpu.iota {dimensions = array<i32: 0>} : vector<16xi32>
    %broadcast_in_dim3A = arith.constant 0.000000e+00 : f32
    %broadcast_in_dim3A_0 = vector.broadcast %broadcast_in_dim3A : f32 to vector<16xf32>
    %broadcast_in_dim3A_1 = arith.constant 0xFF800000 : f32
    %broadcast_in_dim3A_2 = vector.broadcast %broadcast_in_dim3A_1 : f32 to vector<16xf32>
    %broadcast_in_dim3A_3 = arith.constant 0x7F800000 : f32
    %broadcast_in_dim3A_4 = vector.broadcast %broadcast_in_dim3A_3 : f32 to vector<16xf32>
    %mul3A = arith.constant 2 : i32
    %mul3A_5 = arith.muli %arg1, %mul3A : i32
    %mul3A_6 = arith.constant 16 : i32
    %mul3A_7 = arith.muli %mul3A_5, %mul3A_6 : i32
    %lt3A = arith.constant 400 : i32
    %lt3A_8 = arith.cmpi slt, %mul3A_7, %lt3A : i32
    %convert_element_type3A = arith.extui %lt3A_8 : i1 to i32
    %cond3A = arith.constant 0 : i32
    %cond3A_9 = arith.cmpi ne, %convert_element_type3A, %cond3A : i32
    scf.if %cond3A_9 {
      %mul3A_14 = arith.constant 2 : i32
      %mul3A_15 = arith.muli %mul3A_14, %arg1 : i32
      %add3A = arith.constant 0 : i32
      %add3A_16 = arith.addi %mul3A_15, %add3A : i32
      %mul3A_17 = arith.constant 16 : i32
      %mul3A_18 = arith.muli %add3A_16, %mul3A_17 : i32
      %lt3A_19 = arith.constant 400 : i32
      %lt3A_20 = arith.cmpi slt, %mul3A_18, %lt3A_19 : i32
      %convert_element_type3A_21 = arith.extui %lt3A_20 : i1 to i32
      %cond3A_22 = arith.constant 0 : i32
      %cond3A_23 = arith.cmpi ne, %convert_element_type3A_21, %cond3A_22 : i32
      scf.if %cond3A_23 {
        %mul3A_121 = arith.constant 16 : i32
        %mul3A_122 = arith.muli %add3A_16, %mul3A_121 : i32
        %dma_start3A = arith.constant 0 : i32
        %dma_start3A_123 = arith.constant 0 : i32
        %dma_start3A_124 = tpu.memref_slice %arg6[%dma_start3A, %dma_start3A_123] : memref<32x801xf32, #tpu.memory_space<vmem>> -> memref<16x784xf32, #tpu.memory_space<vmem>>
        %dma_start3A_125 = arith.constant 0 : i32
        %dma_start3A_126 = tpu.memref_slice %arg3[%mul3A_122, %dma_start3A_125] : memref<400x784xf32, #tpu.memory_space<hbm>> -> memref<16x784xf32, #tpu.memory_space<hbm>>
        %dma_start3A_127 = arith.constant 0 : i32
        %dma_start3A_128 = arith.constant 0 : i32
        %dma_start3A_129 = tpu.memref_slice %arg6[%dma_start3A_127, %dma_start3A_128] : memref<32x801xf32, #tpu.memory_space<vmem>> -> memref<16x784xf32, #tpu.memory_space<vmem>>
        %dma_start3A_130 = arith.constant 0 : i32
        %dma_start3A_131 = tpu.memref_slice %arg3[%mul3A_122, %dma_start3A_130] : memref<400x784xf32, #tpu.memory_space<hbm>> -> memref<16x784xf32, #tpu.memory_space<hbm>>
        tpu.enqueue_dma source(%dma_start3A_131 : memref<16x784xf32, #tpu.memory_space<hbm>>) target(%dma_start3A_129 : memref<16x784xf32, #tpu.memory_space<vmem>>) target_semaphore(%arg14 : memref<!tpu.dma_semaphore, #tpu.memory_space<semaphore_mem>>)
      } else {
      }
      %mul3A_24 = arith.constant 2 : i32
      %mul3A_25 = arith.muli %mul3A_24, %arg1 : i32
      %add3A_26 = arith.constant 1 : i32
      %add3A_27 = arith.addi %mul3A_25, %add3A_26 : i32
      %mul3A_28 = arith.constant 16 : i32
      %mul3A_29 = arith.muli %add3A_27, %mul3A_28 : i32
      %lt3A_30 = arith.constant 400 : i32
      %lt3A_31 = arith.cmpi slt, %mul3A_29, %lt3A_30 : i32
      %convert_element_type3A_32 = arith.extui %lt3A_31 : i1 to i32
      %cond3A_33 = arith.constant 0 : i32
      %cond3A_34 = arith.cmpi ne, %convert_element_type3A_32, %cond3A_33 : i32
      scf.if %cond3A_34 {
        %mul3A_121 = arith.constant 16 : i32
        %mul3A_122 = arith.muli %add3A_27, %mul3A_121 : i32
        %dma_start3A = arith.constant 16 : i32
        %dma_start3A_123 = arith.constant 0 : i32
        %dma_start3A_124 = tpu.memref_slice %arg6[%dma_start3A, %dma_start3A_123] : memref<32x801xf32, #tpu.memory_space<vmem>> -> memref<16x784xf32, #tpu.memory_space<vmem>>
        %dma_start3A_125 = arith.constant 0 : i32
        %dma_start3A_126 = tpu.memref_slice %arg3[%mul3A_122, %dma_start3A_125] : memref<400x784xf32, #tpu.memory_space<hbm>> -> memref<16x784xf32, #tpu.memory_space<hbm>>
        %dma_start3A_127 = arith.constant 16 : i32
        %dma_start3A_128 = arith.constant 0 : i32
        %dma_start3A_129 = tpu.memref_slice %arg6[%dma_start3A_127, %dma_start3A_128] : memref<32x801xf32, #tpu.memory_space<vmem>> -> memref<16x784xf32, #tpu.memory_space<vmem>>
        %dma_start3A_130 = arith.constant 0 : i32
        %dma_start3A_131 = tpu.memref_slice %arg3[%mul3A_122, %dma_start3A_130] : memref<400x784xf32, #tpu.memory_space<hbm>> -> memref<16x784xf32, #tpu.memory_space<hbm>>
        tpu.enqueue_dma source(%dma_start3A_131 : memref<16x784xf32, #tpu.memory_space<hbm>>) target(%dma_start3A_129 : memref<16x784xf32, #tpu.memory_space<vmem>>) target_semaphore(%arg14 : memref<!tpu.dma_semaphore, #tpu.memory_space<semaphore_mem>>)
      } else {
      }
      %eq3A_35 = arith.constant 0 : i32
      %eq3A_36 = arith.cmpi eq, %arg1, %eq3A_35 : i32
      %convert_element_type3A_37 = arith.extui %eq3A_36 : i1 to i32
      %cond3A_38 = arith.constant 0 : i32
      %cond3A_39 = arith.cmpi ne, %convert_element_type3A_37, %cond3A_38 : i32
      scf.if %cond3A_39 {
        %dma_start3A = arith.constant 0 : i32
        %dma_start3A_121 = arith.constant 0 : i32
        %dma_start3A_122 = tpu.memref_slice %arg8[%dma_start3A, %dma_start3A_121] : memref<16x417xf32, #tpu.memory_space<vmem>> -> memref<10x400xf32, #tpu.memory_space<vmem>>
        %dma_start3A_123 = arith.constant 0 : i32
        %dma_start3A_124 = arith.constant 0 : i32
        %dma_start3A_125 = tpu.memref_slice %arg8[%dma_start3A_123, %dma_start3A_124] : memref<16x417xf32, #tpu.memory_space<vmem>> -> memref<10x400xf32, #tpu.memory_space<vmem>>
        tpu.enqueue_dma source(%arg4 : memref<10x400xf32, #tpu.memory_space<hbm>>) target(%dma_start3A_125 : memref<10x400xf32, #tpu.memory_space<vmem>>) target_semaphore(%arg14 : memref<!tpu.dma_semaphore, #tpu.memory_space<semaphore_mem>>)
      } else {
      }
      "tpu.trace_start"() <{level = 10 : i32, message = "p_inv_compact"}> : () -> ()
      "tpu.region"() ({
        %run_scoped3A = tpu.sem_alloc : memref<!tpu.dma_semaphore, #tpu.memory_space<semaphore_mem>>
        tpu.enqueue_dma source(%arg2 : memref<784xf32, #tpu.memory_space<hbm>>) target(%arg7 : memref<784xf32, #tpu.memory_space<vmem>>) target_semaphore(%run_scoped3A : memref<!tpu.dma_semaphore, #tpu.memory_space<semaphore_mem>>)
        tpu.wait_dma2 semaphore(%run_scoped3A : memref<!tpu.dma_semaphore, #tpu.memory_space<semaphore_mem>>) src(%arg2 : memref<784xf32, #tpu.memory_space<hbm>>) dst(%arg7 : memref<784xf32, #tpu.memory_space<vmem>>)
        tpu.yield
      }) : () -> ()
      %iota3A_40 = tpu.iota {dimensions = array<i32: 0>} : vector<16xi32>
      %broadcast_in_dim3A_41 = arith.constant 0 : i32
      %broadcast_in_dim3A_42 = vector.broadcast %broadcast_in_dim3A_41 : i32 to vector<16xi32>
      %scan3A = arith.constant 0 : i32
      %scan3A_43 = arith.constant 49 : i32
      %scan3A_44 = arith.addi %scan3A, %scan3A_43 : i32
      %scan3A_45 = arith.constant 1 : i32
      %scan3A_46 = scf.for %scan3A_121 = %scan3A to %scan3A_44 step %scan3A_45 iter_args(%scan3A_122 = %broadcast_in_dim3A_42) -> (vector<16xi32>)  : i32 {
        %mul3A_123 = arith.constant 16 : i32
        %mul3A_124 = arith.muli %scan3A_121, %mul3A_123 : i32
        %get3A = arith.index_cast %mul3A_124 : i32 to index
        %get3A_125 = tpu.vector_load %arg7[%get3A] {strides = array<i32>} : memref<784xf32, #tpu.memory_space<vmem>>, vector<16xf32>,
        %gt3A = arith.constant 0.000000e+00 : f32
        %gt3A_126 = vector.broadcast %gt3A : f32 to vector<16xf32>
        %gt3A_127 = arith.cmpf ogt, %get3A_125, %gt3A_126 : vector<16xf32>
        %jit3A = arith.constant 1 : i32
        %jit3A_128 = arith.constant 0 : i32
        %broadcast_in_dim3A_129 = vector.broadcast %jit3A : i32 to vector<16xi32>
        %broadcast_in_dim3A_130 = vector.broadcast %jit3A_128 : i32 to vector<16xi32>
        %select_n3A = arith.select %gt3A_127, %broadcast_in_dim3A_129, %broadcast_in_dim3A_130 : vector<16xi1>, vector<16xi32>
        %broadcast_in_dim3A_131 = arith.constant true
        %broadcast_in_dim3A_132 = vector.broadcast %broadcast_in_dim3A_131 : i1 to vector<16xi1>
        %masked_cumsum3A = tpu.scan <sum>, %select_n3A masked %broadcast_in_dim3A_132 : vector<16xi32>, vector<16xi1> -> vector<16xi32>
        %add3A_133 = arith.addi %scan3A_122, %masked_cumsum3A : vector<16xi32>
        %sub3A = arith.constant 1 : i32
        %sub3A_134 = vector.broadcast %sub3A : i32 to vector<16xi32>
        %sub3A_135 = arith.subi %add3A_133, %sub3A_134 : vector<16xi32>
        %mul3A_136 = arith.constant 16 : i32
        %mul3A_137 = arith.muli %scan3A_121, %mul3A_136 : i32
        %add3A_138 = vector.broadcast %mul3A_137 : i32 to vector<16xi32>
        %add3A_139 = arith.addi %iota3A_40, %add3A_138 : vector<16xi32>
        tpu.vector_store_idx %arg12[%sub3A_135], %add3A_139 masked %gt3A_127 : memref<800xi32, #tpu.memory_space<vmem>>[vector<16xi32>], vector<16xi32>, vector<16xi1>
        %all_reduce_population_count3A = tpu.all_reduce %gt3A_127 {dim = 0 : i64, kind = #tpu.reduction_kind<sum>} : vector<16xi1> -> vector<16xi32>
        %add3A_140 = arith.addi %scan3A_122, %all_reduce_population_count3A : vector<16xi32>
        scf.yield %add3A_140 : vector<16xi32>
      }
      %scan3A_47 = arith.constant 49 : i32
      %add3A_48 = arith.addi %scan3A_46, %iota3A_40 : vector<16xi32>
      %broadcast_in_dim3A_49 = arith.constant 784 : i32
      %broadcast_in_dim3A_50 = vector.broadcast %broadcast_in_dim3A_49 : i32 to vector<16xi32>
      tpu.vector_store_idx %arg12[%add3A_48], %broadcast_in_dim3A_50 : memref<800xi32, #tpu.memory_space<vmem>>[vector<16xi32>], vector<16xi32>,
      %slice3A = vector.extract_strided_slice %scan3A_46 {offsets = [0], sizes = [1], strides = [1]} : vector<16xi32> to vector<1xi32>
      %squeeze3A = vector.extract %slice3A[0] : i32 from vector<1xi32>
      "tpu.trace_stop"() : () -> ()
      "tpu.trace_start"() <{level = 10 : i32, message = "p_w1_wait"}> : () -> ()
      %dma_wait3A = arith.constant 0 : i32
      %dma_wait3A_51 = arith.constant 0 : i32
      %dma_wait3A_52 = tpu.memref_slice %arg6[%dma_wait3A, %dma_wait3A_51] : memref<32x801xf32, #tpu.memory_space<vmem>> -> memref<16x784xf32, #tpu.memory_space<vmem>>
      %dma_wait3A_53 = arith.constant 0 : i32
      %dma_wait3A_54 = arith.constant 0 : i32
      %dma_wait3A_55 = tpu.memref_slice %arg3[%dma_wait3A_53, %dma_wait3A_54] : memref<400x784xf32, #tpu.memory_space<hbm>> -> memref<16x784xf32, #tpu.memory_space<hbm>>
      %dma_wait3A_56 = arith.constant 0 : i32
      %dma_wait3A_57 = arith.constant 0 : i32
      %dma_wait3A_58 = tpu.memref_slice %arg6[%dma_wait3A_56, %dma_wait3A_57] : memref<32x801xf32, #tpu.memory_space<vmem>> -> memref<16x784xf32, #tpu.memory_space<vmem>>
      %dma_wait3A_59 = arith.constant 0 : i32
      %dma_wait3A_60 = arith.constant 0 : i32
      %dma_wait3A_61 = tpu.memref_slice %arg3[%dma_wait3A_59, %dma_wait3A_60] : memref<400x784xf32, #tpu.memory_space<hbm>> -> memref<16x784xf32, #tpu.memory_space<hbm>>
      tpu.wait_dma2 semaphore(%arg14 : memref<!tpu.dma_semaphore, #tpu.memory_space<semaphore_mem>>) src(%dma_wait3A_61 : memref<16x784xf32, #tpu.memory_space<hbm>>) dst(%dma_wait3A_58 : memref<16x784xf32, #tpu.memory_space<vmem>>)
      %mul3A_62 = arith.constant 2 : i32
      %mul3A_63 = arith.muli %mul3A_62, %arg1 : i32
      %add3A_64 = arith.constant 1 : i32
      %add3A_65 = arith.addi %mul3A_63, %add3A_64 : i32
      %mul3A_66 = arith.constant 16 : i32
      %mul3A_67 = arith.muli %add3A_65, %mul3A_66 : i32
      %lt3A_68 = arith.constant 400 : i32
      %lt3A_69 = arith.cmpi slt, %mul3A_67, %lt3A_68 : i32
      %convert_element_type3A_70 = arith.extui %lt3A_69 : i1 to i32
      %cond3A_71 = arith.constant 0 : i32
      %cond3A_72 = arith.cmpi ne, %convert_element_type3A_70, %cond3A_71 : i32
      scf.if %cond3A_72 {
        %dma_wait3A_121 = arith.constant 0 : i32
        %dma_wait3A_122 = arith.constant 0 : i32
        %dma_wait3A_123 = tpu.memref_slice %arg6[%dma_wait3A_121, %dma_wait3A_122] : memref<32x801xf32, #tpu.memory_space<vmem>> -> memref<16x784xf32, #tpu.memory_space<vmem>>
        %dma_wait3A_124 = arith.constant 0 : i32
        %dma_wait3A_125 = arith.constant 0 : i32
        %dma_wait3A_126 = tpu.memref_slice %arg3[%dma_wait3A_124, %dma_wait3A_125] : memref<400x784xf32, #tpu.memory_space<hbm>> -> memref<16x784xf32, #tpu.memory_space<hbm>>
        %dma_wait3A_127 = arith.constant 0 : i32
        %dma_wait3A_128 = arith.constant 0 : i32
        %dma_wait3A_129 = tpu.memref_slice %arg6[%dma_wait3A_127, %dma_wait3A_128] : memref<32x801xf32, #tpu.memory_space<vmem>> -> memref<16x784xf32, #tpu.memory_space<vmem>>
        %dma_wait3A_130 = arith.constant 0 : i32
        %dma_wait3A_131 = arith.constant 0 : i32
        %dma_wait3A_132 = tpu.memref_slice %arg3[%dma_wait3A_130, %dma_wait3A_131] : memref<400x784xf32, #tpu.memory_space<hbm>> -> memref<16x784xf32, #tpu.memory_space<hbm>>
        tpu.wait_dma2 semaphore(%arg14 : memref<!tpu.dma_semaphore, #tpu.memory_space<semaphore_mem>>) src(%dma_wait3A_132 : memref<16x784xf32, #tpu.memory_space<hbm>>) dst(%dma_wait3A_129 : memref<16x784xf32, #tpu.memory_space<vmem>>)
      } else {
      }
      "tpu.trace_stop"() : () -> ()
      %add3A_73 = arith.constant 16 : i32
      %add3A_74 = vector.broadcast %add3A_73 : i32 to vector<16xi32>
      %add3A_75 = arith.addi %iota3A, %add3A_74 : vector<16xi32>
      %add3A_76 = arith.constant 0 : i32
      %add3A_77 = vector.broadcast %add3A_76 : i32 to vector<16xi32>
      %add3A_78 = arith.addi %iota3A, %add3A_77 : vector<16xi32>
      %broadcast_in_dim3A_79 = arith.constant 784 : i32
      %broadcast_in_dim3A_80 = vector.broadcast %broadcast_in_dim3A_79 : i32 to vector<16xi32>
      tpu.vector_store_idx %arg6[%add3A_78, %broadcast_in_dim3A_80], %broadcast_in_dim3A_0 : memref<32x801xf32, #tpu.memory_space<vmem>>[vector<16xi32>, vector<16xi32>], vector<16xf32>,
      %add3A_81 = arith.constant 16 : i32
      %add3A_82 = vector.broadcast %add3A_81 : i32 to vector<16xi32>
      %add3A_83 = arith.addi %iota3A, %add3A_82 : vector<16xi32>
      %broadcast_in_dim3A_84 = arith.constant 784 : i32
      %broadcast_in_dim3A_85 = vector.broadcast %broadcast_in_dim3A_84 : i32 to vector<16xi32>
      tpu.vector_store_idx %arg6[%add3A_83, %broadcast_in_dim3A_85], %broadcast_in_dim3A_0 : memref<32x801xf32, #tpu.memory_space<vmem>>[vector<16xi32>, vector<16xi32>], vector<16xf32>,
      %add3A_86 = arith.constant 7 : i32
      %add3A_87 = arith.addi %squeeze3A, %add3A_86 : i32
      %shift_right_logical3A = arith.constant 3 : i32
      %shift_right_logical3A_88 = arith.shrui %add3A_87, %shift_right_logical3A : i32
      %while3A = arith.constant 0 : i32
      "tpu.trace_start"() <{level = 10 : i32, message = "p_loop1"}> : () -> ()
      %while3A_89 = arith.subi %shift_right_logical3A_88, %while3A : i32
      %while3A_90 = arith.addi %while3A, %while3A_89 : i32
      %while3A_91 = arith.constant 1 : i32
      %while3A_92 = arith.divsi %while3A_89, %while3A_91 : i32
      %while3A_93 = arith.muli %while3A_92, %while3A_91 : i32
      %while3A_94 = arith.addi %while3A, %while3A_93 : i32
      %while3A_95 = arith.constant 1 : i32
      %while3A_96:6 = scf.for %while3A_121 = %while3A to %while3A_94 step %while3A_95 iter_args(%while3A_122 = %broadcast_in_dim3A_0, %while3A_123 = %broadcast_in_dim3A_2, %while3A_124 = %broadcast_in_dim3A_4, %while3A_125 = %broadcast_in_dim3A_0, %while3A_126 = %broadcast_in_dim3A_2, %while3A_127 = %broadcast_in_dim3A_4) -> (vector<16xf32>, vector<16xf32>, vector<16xf32>, vector<16xf32>, vector<16xf32>, vector<16xf32>)  : i32 {
        %mul3A_128 = arith.constant 8 : i32
        %mul3A_129 = arith.muli %while3A_121, %mul3A_128 : i32
        %get3A = arith.index_cast %mul3A_129 : i32 to index
        %get3A_130 = tpu.vector_load %arg12[%get3A] {strides = array<i32>} : memref<800xi32, #tpu.memory_space<vmem>>, vector<16xi32>,
        %slice3A_131 = vector.extract_strided_slice %get3A_130 {offsets = [0], sizes = [1], strides = [1]} : vector<16xi32> to vector<1xi32>
        %squeeze3A_132 = vector.extract %slice3A_131[0] : i32 from vector<1xi32>
        %broadcast_in_dim3A_133 = vector.broadcast %squeeze3A_132 : i32 to vector<16xi32>
        %gather3A = tpu.vector_load_idx %arg6[%iota3A, %broadcast_in_dim3A_133] : memref<32x801xf32, #tpu.memory_space<vmem>>[vector<16xi32>, vector<16xi32>], vector<16xf32>,
        %gather3A_134 = tpu.vector_load_idx %arg6[%add3A_75, %broadcast_in_dim3A_133] : memref<32x801xf32, #tpu.memory_space<vmem>>[vector<16xi32>, vector<16xi32>], vector<16xf32>,
        %add3A_135 = arith.addf %while3A_122, %gather3A : vector<16xf32>
        %add3A_136 = arith.addf %while3A_125, %gather3A_134 : vector<16xf32>
        %max3A = arith.maximumf %while3A_123, %add3A_135 : vector<16xf32>
        %min3A = arith.minimumf %while3A_124, %add3A_135 : vector<16xf32>
        %max3A_137 = arith.maximumf %while3A_126, %add3A_136 : vector<16xf32>
        %min3A_138 = arith.minimumf %while3A_127, %add3A_136 : vector<16xf32>
        %slice3A_139 = vector.extract_strided_slice %get3A_130 {offsets = [1], sizes = [1], strides = [1]} : vector<16xi32> to vector<1xi32>
        %squeeze3A_140 = vector.extract %slice3A_139[0] : i32 from vector<1xi32>
        %broadcast_in_dim3A_141 = vector.broadcast %squeeze3A_140 : i32 to vector<16xi32>
        %gather3A_142 = tpu.vector_load_idx %arg6[%iota3A, %broadcast_in_dim3A_141] : memref<32x801xf32, #tpu.memory_space<vmem>>[vector<16xi32>, vector<16xi32>], vector<16xf32>,
        %gather3A_143 = tpu.vector_load_idx %arg6[%add3A_75, %broadcast_in_dim3A_141] : memref<32x801xf32, #tpu.memory_space<vmem>>[vector<16xi32>, vector<16xi32>], vector<16xf32>,
        %add3A_144 = arith.addf %add3A_135, %gather3A_142 : vector<16xf32>
        %add3A_145 = arith.addf %add3A_136, %gather3A_143 : vector<16xf32>
        %max3A_146 = arith.maximumf %max3A, %add3A_144 : vector<16xf32>
        %min3A_147 = arith.minimumf %min3A, %add3A_144 : vector<16xf32>
        %max3A_148 = arith.maximumf %max3A_137, %add3A_145 : vector<16xf32>
        %min3A_149 = arith.minimumf %min3A_138, %add3A_145 : vector<16xf32>
        %slice3A_150 = vector.extract_strided_slice %get3A_130 {offsets = [2], sizes = [1], strides = [1]} : vector<16xi32> to vector<1xi32>
        %squeeze3A_151 = vector.extract %slice3A_150[0] : i32 from vector<1xi32>
        %broadcast_in_dim3A_152 = vector.broadcast %squeeze3A_151 : i32 to vector<16xi32>
        %gather3A_153 = tpu.vector_load_idx %arg6[%iota3A, %broadcast_in_dim3A_152] : memref<32x801xf32, #tpu.memory_space<vmem>>[vector<16xi32>, vector<16xi32>], vector<16xf32>,
        %gather3A_154 = tpu.vector_load_idx %arg6[%add3A_75, %broadcast_in_dim3A_152] : memref<32x801xf32, #tpu.memory_space<vmem>>[vector<16xi32>, vector<16xi32>], vector<16xf32>,
        %add3A_155 = arith.addf %add3A_144, %gather3A_153 : vector<16xf32>
        %add3A_156 = arith.addf %add3A_145, %gather3A_154 : vector<16xf32>
        %max3A_157 = arith.maximumf %max3A_146, %add3A_155 : vector<16xf32>
        %min3A_158 = arith.minimumf %min3A_147, %add3A_155 : vector<16xf32>
        %max3A_159 = arith.maximumf %max3A_148, %add3A_156 : vector<16xf32>
        %min3A_160 = arith.minimumf %min3A_149, %add3A_156 : vector<16xf32>
        %slice3A_161 = vector.extract_strided_slice %get3A_130 {offsets = [3], sizes = [1], strides = [1]} : vector<16xi32> to vector<1xi32>
        %squeeze3A_162 = vector.extract %slice3A_161[0] : i32 from vector<1xi32>
        %broadcast_in_dim3A_163 = vector.broadcast %squeeze3A_162 : i32 to vector<16xi32>
        %gather3A_164 = tpu.vector_load_idx %arg6[%iota3A, %broadcast_in_dim3A_163] : memref<32x801xf32, #tpu.memory_space<vmem>>[vector<16xi32>, vector<16xi32>], vector<16xf32>,
        %gather3A_165 = tpu.vector_load_idx %arg6[%add3A_75, %broadcast_in_dim3A_163] : memref<32x801xf32, #tpu.memory_space<vmem>>[vector<16xi32>, vector<16xi32>], vector<16xf32>,
        %add3A_166 = arith.addf %add3A_155, %gather3A_164 : vector<16xf32>
        %add3A_167 = arith.addf %add3A_156, %gather3A_165 : vector<16xf32>
        %max3A_168 = arith.maximumf %max3A_157, %add3A_166 : vector<16xf32>
        %min3A_169 = arith.minimumf %min3A_158, %add3A_166 : vector<16xf32>
        %max3A_170 = arith.maximumf %max3A_159, %add3A_167 : vector<16xf32>
        %min3A_171 = arith.minimumf %min3A_160, %add3A_167 : vector<16xf32>
        %slice3A_172 = vector.extract_strided_slice %get3A_130 {offsets = [4], sizes = [1], strides = [1]} : vector<16xi32> to vector<1xi32>
        %squeeze3A_173 = vector.extract %slice3A_172[0] : i32 from vector<1xi32>
        %broadcast_in_dim3A_174 = vector.broadcast %squeeze3A_173 : i32 to vector<16xi32>
        %gather3A_175 = tpu.vector_load_idx %arg6[%iota3A, %broadcast_in_dim3A_174] : memref<32x801xf32, #tpu.memory_space<vmem>>[vector<16xi32>, vector<16xi32>], vector<16xf32>,
        %gather3A_176 = tpu.vector_load_idx %arg6[%add3A_75, %broadcast_in_dim3A_174] : memref<32x801xf32, #tpu.memory_space<vmem>>[vector<16xi32>, vector<16xi32>], vector<16xf32>,
        %add3A_177 = arith.addf %add3A_166, %gather3A_175 : vector<16xf32>
        %add3A_178 = arith.addf %add3A_167, %gather3A_176 : vector<16xf32>
        %max3A_179 = arith.maximumf %max3A_168, %add3A_177 : vector<16xf32>
        %min3A_180 = arith.minimumf %min3A_169, %add3A_177 : vector<16xf32>
        %max3A_181 = arith.maximumf %max3A_170, %add3A_178 : vector<16xf32>
        %min3A_182 = arith.minimumf %min3A_171, %add3A_178 : vector<16xf32>
        %slice3A_183 = vector.extract_strided_slice %get3A_130 {offsets = [5], sizes = [1], strides = [1]} : vector<16xi32> to vector<1xi32>
        %squeeze3A_184 = vector.extract %slice3A_183[0] : i32 from vector<1xi32>
        %broadcast_in_dim3A_185 = vector.broadcast %squeeze3A_184 : i32 to vector<16xi32>
        %gather3A_186 = tpu.vector_load_idx %arg6[%iota3A, %broadcast_in_dim3A_185] : memref<32x801xf32, #tpu.memory_space<vmem>>[vector<16xi32>, vector<16xi32>], vector<16xf32>,
        %gather3A_187 = tpu.vector_load_idx %arg6[%add3A_75, %broadcast_in_dim3A_185] : memref<32x801xf32, #tpu.memory_space<vmem>>[vector<16xi32>, vector<16xi32>], vector<16xf32>,
        %add3A_188 = arith.addf %add3A_177, %gather3A_186 : vector<16xf32>
        %add3A_189 = arith.addf %add3A_178, %gather3A_187 : vector<16xf32>
        %max3A_190 = arith.maximumf %max3A_179, %add3A_188 : vector<16xf32>
        %min3A_191 = arith.minimumf %min3A_180, %add3A_188 : vector<16xf32>
        %max3A_192 = arith.maximumf %max3A_181, %add3A_189 : vector<16xf32>
        %min3A_193 = arith.minimumf %min3A_182, %add3A_189 : vector<16xf32>
        %slice3A_194 = vector.extract_strided_slice %get3A_130 {offsets = [6], sizes = [1], strides = [1]} : vector<16xi32> to vector<1xi32>
        %squeeze3A_195 = vector.extract %slice3A_194[0] : i32 from vector<1xi32>
        %broadcast_in_dim3A_196 = vector.broadcast %squeeze3A_195 : i32 to vector<16xi32>
        %gather3A_197 = tpu.vector_load_idx %arg6[%iota3A, %broadcast_in_dim3A_196] : memref<32x801xf32, #tpu.memory_space<vmem>>[vector<16xi32>, vector<16xi32>], vector<16xf32>,
        %gather3A_198 = tpu.vector_load_idx %arg6[%add3A_75, %broadcast_in_dim3A_196] : memref<32x801xf32, #tpu.memory_space<vmem>>[vector<16xi32>, vector<16xi32>], vector<16xf32>,
        %add3A_199 = arith.addf %add3A_188, %gather3A_197 : vector<16xf32>
        %add3A_200 = arith.addf %add3A_189, %gather3A_198 : vector<16xf32>
        %max3A_201 = arith.maximumf %max3A_190, %add3A_199 : vector<16xf32>
        %min3A_202 = arith.minimumf %min3A_191, %add3A_199 : vector<16xf32>
        %max3A_203 = arith.maximumf %max3A_192, %add3A_200 : vector<16xf32>
        %min3A_204 = arith.minimumf %min3A_193, %add3A_200 : vector<16xf32>
        %slice3A_205 = vector.extract_strided_slice %get3A_130 {offsets = [7], sizes = [1], strides = [1]} : vector<16xi32> to vector<1xi32>
        %squeeze3A_206 = vector.extract %slice3A_205[0] : i32 from vector<1xi32>
        %broadcast_in_dim3A_207 = vector.broadcast %squeeze3A_206 : i32 to vector<16xi32>
        %gather3A_208 = tpu.vector_load_idx %arg6[%iota3A, %broadcast_in_dim3A_207] : memref<32x801xf32, #tpu.memory_space<vmem>>[vector<16xi32>, vector<16xi32>], vector<16xf32>,
        %gather3A_209 = tpu.vector_load_idx %arg6[%add3A_75, %broadcast_in_dim3A_207] : memref<32x801xf32, #tpu.memory_space<vmem>>[vector<16xi32>, vector<16xi32>], vector<16xf32>,
        %add3A_210 = arith.addf %add3A_199, %gather3A_208 : vector<16xf32>
        %add3A_211 = arith.addf %add3A_200, %gather3A_209 : vector<16xf32>
        %max3A_212 = arith.maximumf %max3A_201, %add3A_210 : vector<16xf32>
        %min3A_213 = arith.minimumf %min3A_202, %add3A_210 : vector<16xf32>
        %max3A_214 = arith.maximumf %max3A_203, %add3A_211 : vector<16xf32>
        %min3A_215 = arith.minimumf %min3A_204, %add3A_211 : vector<16xf32>
        scf.yield %add3A_210, %max3A_212, %min3A_213, %add3A_211, %max3A_214, %min3A_215 : vector<16xf32>, vector<16xf32>, vector<16xf32>, vector<16xf32>, vector<16xf32>, vector<16xf32>
      }
      %while3A_97 = arith.constant 1 : i32
      %while3A_98:6 = scf.for %while3A_121 = %while3A_94 to %while3A_90 step %while3A_97 iter_args(%while3A_122 = %while3A_96#0, %while3A_123 = %while3A_96#1, %while3A_124 = %while3A_96#2, %while3A_125 = %while3A_96#3, %while3A_126 = %while3A_96#4, %while3A_127 = %while3A_96#5) -> (vector<16xf32>, vector<16xf32>, vector<16xf32>, vector<16xf32>, vector<16xf32>, vector<16xf32>)  : i32 {
        %mul3A_128 = arith.constant 8 : i32
        %mul3A_129 = arith.muli %while3A_121, %mul3A_128 : i32
        %get3A = arith.index_cast %mul3A_129 : i32 to index
        %get3A_130 = tpu.vector_load %arg12[%get3A] {strides = array<i32>} : memref<800xi32, #tpu.memory_space<vmem>>, vector<16xi32>,
        %slice3A_131 = vector.extract_strided_slice %get3A_130 {offsets = [0], sizes = [1], strides = [1]} : vector<16xi32> to vector<1xi32>
        %squeeze3A_132 = vector.extract %slice3A_131[0] : i32 from vector<1xi32>
        %broadcast_in_dim3A_133 = vector.broadcast %squeeze3A_132 : i32 to vector<16xi32>
        %gather3A = tpu.vector_load_idx %arg6[%iota3A, %broadcast_in_dim3A_133] : memref<32x801xf32, #tpu.memory_space<vmem>>[vector<16xi32>, vector<16xi32>], vector<16xf32>,
        %gather3A_134 = tpu.vector_load_idx %arg6[%add3A_75, %broadcast_in_dim3A_133] : memref<32x801xf32, #tpu.memory_space<vmem>>[vector<16xi32>, vector<16xi32>], vector<16xf32>,
        %add3A_135 = arith.addf %while3A_122, %gather3A : vector<16xf32>
        %add3A_136 = arith.addf %while3A_125, %gather3A_134 : vector<16xf32>
        %max3A = arith.maximumf %while3A_123, %add3A_135 : vector<16xf32>
        %min3A = arith.minimumf %while3A_124, %add3A_135 : vector<16xf32>
        %max3A_137 = arith.maximumf %while3A_126, %add3A_136 : vector<16xf32>
        %min3A_138 = arith.minimumf %while3A_127, %add3A_136 : vector<16xf32>
        %slice3A_139 = vector.extract_strided_slice %get3A_130 {offsets = [1], sizes = [1], strides = [1]} : vector<16xi32> to vector<1xi32>
        %squeeze3A_140 = vector.extract %slice3A_139[0] : i32 from vector<1xi32>
        %broadcast_in_dim3A_141 = vector.broadcast %squeeze3A_140 : i32 to vector<16xi32>
        %gather3A_142 = tpu.vector_load_idx %arg6[%iota3A, %broadcast_in_dim3A_141] : memref<32x801xf32, #tpu.memory_space<vmem>>[vector<16xi32>, vector<16xi32>], vector<16xf32>,
        %gather3A_143 = tpu.vector_load_idx %arg6[%add3A_75, %broadcast_in_dim3A_141] : memref<32x801xf32, #tpu.memory_space<vmem>>[vector<16xi32>, vector<16xi32>], vector<16xf32>,
        %add3A_144 = arith.addf %add3A_135, %gather3A_142 : vector<16xf32>
        %add3A_145 = arith.addf %add3A_136, %gather3A_143 : vector<16xf32>
        %max3A_146 = arith.maximumf %max3A, %add3A_144 : vector<16xf32>
        %min3A_147 = arith.minimumf %min3A, %add3A_144 : vector<16xf32>
        %max3A_148 = arith.maximumf %max3A_137, %add3A_145 : vector<16xf32>
        %min3A_149 = arith.minimumf %min3A_138, %add3A_145 : vector<16xf32>
        %slice3A_150 = vector.extract_strided_slice %get3A_130 {offsets = [2], sizes = [1], strides = [1]} : vector<16xi32> to vector<1xi32>
        %squeeze3A_151 = vector.extract %slice3A_150[0] : i32 from vector<1xi32>
        %broadcast_in_dim3A_152 = vector.broadcast %squeeze3A_151 : i32 to vector<16xi32>
        %gather3A_153 = tpu.vector_load_idx %arg6[%iota3A, %broadcast_in_dim3A_152] : memref<32x801xf32, #tpu.memory_space<vmem>>[vector<16xi32>, vector<16xi32>], vector<16xf32>,
        %gather3A_154 = tpu.vector_load_idx %arg6[%add3A_75, %broadcast_in_dim3A_152] : memref<32x801xf32, #tpu.memory_space<vmem>>[vector<16xi32>, vector<16xi32>], vector<16xf32>,
        %add3A_155 = arith.addf %add3A_144, %gather3A_153 : vector<16xf32>
        %add3A_156 = arith.addf %add3A_145, %gather3A_154 : vector<16xf32>
        %max3A_157 = arith.maximumf %max3A_146, %add3A_155 : vector<16xf32>
        %min3A_158 = arith.minimumf %min3A_147, %add3A_155 : vector<16xf32>
        %max3A_159 = arith.maximumf %max3A_148, %add3A_156 : vector<16xf32>
        %min3A_160 = arith.minimumf %min3A_149, %add3A_156 : vector<16xf32>
        %slice3A_161 = vector.extract_strided_slice %get3A_130 {offsets = [3], sizes = [1], strides = [1]} : vector<16xi32> to vector<1xi32>
        %squeeze3A_162 = vector.extract %slice3A_161[0] : i32 from vector<1xi32>
        %broadcast_in_dim3A_163 = vector.broadcast %squeeze3A_162 : i32 to vector<16xi32>
        %gather3A_164 = tpu.vector_load_idx %arg6[%iota3A, %broadcast_in_dim3A_163] : memref<32x801xf32, #tpu.memory_space<vmem>>[vector<16xi32>, vector<16xi32>], vector<16xf32>,
        %gather3A_165 = tpu.vector_load_idx %arg6[%add3A_75, %broadcast_in_dim3A_163] : memref<32x801xf32, #tpu.memory_space<vmem>>[vector<16xi32>, vector<16xi32>], vector<16xf32>,
        %add3A_166 = arith.addf %add3A_155, %gather3A_164 : vector<16xf32>
        %add3A_167 = arith.addf %add3A_156, %gather3A_165 : vector<16xf32>
        %max3A_168 = arith.maximumf %max3A_157, %add3A_166 : vector<16xf32>
        %min3A_169 = arith.minimumf %min3A_158, %add3A_166 : vector<16xf32>
        %max3A_170 = arith.maximumf %max3A_159, %add3A_167 : vector<16xf32>
        %min3A_171 = arith.minimumf %min3A_160, %add3A_167 : vector<16xf32>
        %slice3A_172 = vector.extract_strided_slice %get3A_130 {offsets = [4], sizes = [1], strides = [1]} : vector<16xi32> to vector<1xi32>
        %squeeze3A_173 = vector.extract %slice3A_172[0] : i32 from vector<1xi32>
        %broadcast_in_dim3A_174 = vector.broadcast %squeeze3A_173 : i32 to vector<16xi32>
        %gather3A_175 = tpu.vector_load_idx %arg6[%iota3A, %broadcast_in_dim3A_174] : memref<32x801xf32, #tpu.memory_space<vmem>>[vector<16xi32>, vector<16xi32>], vector<16xf32>,
        %gather3A_176 = tpu.vector_load_idx %arg6[%add3A_75, %broadcast_in_dim3A_174] : memref<32x801xf32, #tpu.memory_space<vmem>>[vector<16xi32>, vector<16xi32>], vector<16xf32>,
        %add3A_177 = arith.addf %add3A_166, %gather3A_175 : vector<16xf32>
        %add3A_178 = arith.addf %add3A_167, %gather3A_176 : vector<16xf32>
        %max3A_179 = arith.maximumf %max3A_168, %add3A_177 : vector<16xf32>
        %min3A_180 = arith.minimumf %min3A_169, %add3A_177 : vector<16xf32>
        %max3A_181 = arith.maximumf %max3A_170, %add3A_178 : vector<16xf32>
        %min3A_182 = arith.minimumf %min3A_171, %add3A_178 : vector<16xf32>
        %slice3A_183 = vector.extract_strided_slice %get3A_130 {offsets = [5], sizes = [1], strides = [1]} : vector<16xi32> to vector<1xi32>
        %squeeze3A_184 = vector.extract %slice3A_183[0] : i32 from vector<1xi32>
        %broadcast_in_dim3A_185 = vector.broadcast %squeeze3A_184 : i32 to vector<16xi32>
        %gather3A_186 = tpu.vector_load_idx %arg6[%iota3A, %broadcast_in_dim3A_185] : memref<32x801xf32, #tpu.memory_space<vmem>>[vector<16xi32>, vector<16xi32>], vector<16xf32>,
        %gather3A_187 = tpu.vector_load_idx %arg6[%add3A_75, %broadcast_in_dim3A_185] : memref<32x801xf32, #tpu.memory_space<vmem>>[vector<16xi32>, vector<16xi32>], vector<16xf32>,
        %add3A_188 = arith.addf %add3A_177, %gather3A_186 : vector<16xf32>
        %add3A_189 = arith.addf %add3A_178, %gather3A_187 : vector<16xf32>
        %max3A_190 = arith.maximumf %max3A_179, %add3A_188 : vector<16xf32>
        %min3A_191 = arith.minimumf %min3A_180, %add3A_188 : vector<16xf32>
        %max3A_192 = arith.maximumf %max3A_181, %add3A_189 : vector<16xf32>
        %min3A_193 = arith.minimumf %min3A_182, %add3A_189 : vector<16xf32>
        %slice3A_194 = vector.extract_strided_slice %get3A_130 {offsets = [6], sizes = [1], strides = [1]} : vector<16xi32> to vector<1xi32>
        %squeeze3A_195 = vector.extract %slice3A_194[0] : i32 from vector<1xi32>
        %broadcast_in_dim3A_196 = vector.broadcast %squeeze3A_195 : i32 to vector<16xi32>
        %gather3A_197 = tpu.vector_load_idx %arg6[%iota3A, %broadcast_in_dim3A_196] : memref<32x801xf32, #tpu.memory_space<vmem>>[vector<16xi32>, vector<16xi32>], vector<16xf32>,
        %gather3A_198 = tpu.vector_load_idx %arg6[%add3A_75, %broadcast_in_dim3A_196] : memref<32x801xf32, #tpu.memory_space<vmem>>[vector<16xi32>, vector<16xi32>], vector<16xf32>,
        %add3A_199 = arith.addf %add3A_188, %gather3A_197 : vector<16xf32>
        %add3A_200 = arith.addf %add3A_189, %gather3A_198 : vector<16xf32>
        %max3A_201 = arith.maximumf %max3A_190, %add3A_199 : vector<16xf32>
        %min3A_202 = arith.minimumf %min3A_191, %add3A_199 : vector<16xf32>
        %max3A_203 = arith.maximumf %max3A_192, %add3A_200 : vector<16xf32>
        %min3A_204 = arith.minimumf %min3A_193, %add3A_200 : vector<16xf32>
        %slice3A_205 = vector.extract_strided_slice %get3A_130 {offsets = [7], sizes = [1], strides = [1]} : vector<16xi32> to vector<1xi32>
        %squeeze3A_206 = vector.extract %slice3A_205[0] : i32 from vector<1xi32>
        %broadcast_in_dim3A_207 = vector.broadcast %squeeze3A_206 : i32 to vector<16xi32>
        %gather3A_208 = tpu.vector_load_idx %arg6[%iota3A, %broadcast_in_dim3A_207] : memref<32x801xf32, #tpu.memory_space<vmem>>[vector<16xi32>, vector<16xi32>], vector<16xf32>,
        %gather3A_209 = tpu.vector_load_idx %arg6[%add3A_75, %broadcast_in_dim3A_207] : memref<32x801xf32, #tpu.memory_space<vmem>>[vector<16xi32>, vector<16xi32>], vector<16xf32>,
        %add3A_210 = arith.addf %add3A_199, %gather3A_208 : vector<16xf32>
        %add3A_211 = arith.addf %add3A_200, %gather3A_209 : vector<16xf32>
        %max3A_212 = arith.maximumf %max3A_201, %add3A_210 : vector<16xf32>
        %min3A_213 = arith.minimumf %min3A_202, %add3A_210 : vector<16xf32>
        %max3A_214 = arith.maximumf %max3A_203, %add3A_211 : vector<16xf32>
        %min3A_215 = arith.minimumf %min3A_204, %add3A_211 : vector<16xf32>
        scf.yield %add3A_210, %max3A_212, %min3A_213, %add3A_211, %max3A_214, %min3A_215 : vector<16xf32>, vector<16xf32>, vector<16xf32>, vector<16xf32>, vector<16xf32>, vector<16xf32>
      }
      "tpu.trace_stop"() : () -> ()
      %mul3A_99 = arith.constant 2 : i32
      %mul3A_100 = arith.muli %mul3A_99, %arg1 : i32
      %add3A_101 = arith.constant 0 : i32
      %add3A_102 = arith.addi %mul3A_100, %add3A_101 : i32
      %mul3A_103 = arith.constant 16 : i32
      %mul3A_104 = arith.muli %add3A_102, %mul3A_103 : i32
      %lt3A_105 = arith.constant 400 : i32
      %lt3A_106 = arith.cmpi slt, %mul3A_104, %lt3A_105 : i32
      %convert_element_type3A_107 = arith.extui %lt3A_106 : i1 to i32
      %cond3A_108 = arith.constant 0 : i32
      %cond3A_109 = arith.cmpi ne, %convert_element_type3A_107, %cond3A_108 : i32
      scf.if %cond3A_109 {
        %gt3A = arith.constant 5.000000e-01 : f32
        %gt3A_121 = vector.broadcast %gt3A : f32 to vector<16xf32>
        %gt3A_122 = arith.cmpf ogt, %while3A_98#0, %gt3A_121 : vector<16xf32>
        %jit3A = arith.constant 1.000000e+00 : f32
        %jit3A_123 = arith.constant 0.000000e+00 : f32
        %broadcast_in_dim3A_124 = vector.broadcast %jit3A : f32 to vector<16xf32>
        %broadcast_in_dim3A_125 = vector.broadcast %jit3A_123 : f32 to vector<16xf32>
        %select_n3A = arith.select %gt3A_122, %broadcast_in_dim3A_124, %broadcast_in_dim3A_125 : vector<16xi1>, vector<16xf32>
        %swap3A = arith.constant 0 : i32
        %swap3A_126 = arith.index_cast %swap3A : i32 to index
        %swap3A_127 = arith.constant 0 : index
        %swap3A_128 = tpu.vector_load %arg9[%swap3A_126, %swap3A_127] {strides = array<i32>} : memref<3x16xf32, #tpu.memory_space<vmem>>, vector<16xf32>,
        tpu.vector_store %arg9[%swap3A_126, %swap3A_127], %select_n3A {strides = array<i32>} : memref<3x16xf32, #tpu.memory_space<vmem>>, vector<16xf32>,
        %swap3A_129 = arith.constant 1 : i32
        %swap3A_130 = arith.index_cast %swap3A_129 : i32 to index
        %swap3A_131 = arith.constant 0 : index
        %swap3A_132 = tpu.vector_load %arg9[%swap3A_130, %swap3A_131] {strides = array<i32>} : memref<3x16xf32, #tpu.memory_space<vmem>>, vector<16xf32>,
        tpu.vector_store %arg9[%swap3A_130, %swap3A_131], %while3A_98#1 {strides = array<i32>} : memref<3x16xf32, #tpu.memory_space<vmem>>, vector<16xf32>,
        %swap3A_133 = arith.constant 2 : i32
        %swap3A_134 = arith.index_cast %swap3A_133 : i32 to index
        %swap3A_135 = arith.constant 0 : index
        %swap3A_136 = tpu.vector_load %arg9[%swap3A_134, %swap3A_135] {strides = array<i32>} : memref<3x16xf32, #tpu.memory_space<vmem>>, vector<16xf32>,
        tpu.vector_store %arg9[%swap3A_134, %swap3A_135], %while3A_98#2 {strides = array<i32>} : memref<3x16xf32, #tpu.memory_space<vmem>>, vector<16xf32>,
        "tpu.region"() ({
          %run_scoped3A = tpu.sem_alloc : memref<!tpu.dma_semaphore, #tpu.memory_space<semaphore_mem>>
          %dma_start3A = arith.constant 0 : i32
          %dma_start3A_137 = arith.constant 0 : i32
          %dma_start3A_138 = tpu.memref_slice %arg15[%add3A_102, %dma_start3A, %dma_start3A_137] : memref<50x3x16xf32, #tpu.memory_space<vmem_shared>> -> memref<1x3x16xf32, #tpu.memory_space<vmem_shared>>
          %dma_start3A_139 = tpu.memref_squeeze %dma_start3A_138 : memref<1x3x16xf32, #tpu.memory_space<vmem_shared>> -> memref<3x16xf32, #tpu.memory_space<vmem_shared>>
          %dma_start3A_140 = arith.constant 0 : i32
          %dma_start3A_141 = arith.constant 0 : i32
          %dma_start3A_142 = tpu.memref_slice %arg15[%add3A_102, %dma_start3A_140, %dma_start3A_141] : memref<50x3x16xf32, #tpu.memory_space<vmem_shared>> -> memref<1x3x16xf32, #tpu.memory_space<vmem_shared>>
          %dma_start3A_143 = tpu.memref_squeeze %dma_start3A_142 : memref<1x3x16xf32, #tpu.memory_space<vmem_shared>> -> memref<3x16xf32, #tpu.memory_space<vmem_shared>>
          tpu.enqueue_dma source(%arg9 : memref<3x16xf32, #tpu.memory_space<vmem>>) target(%dma_start3A_143 : memref<3x16xf32, #tpu.memory_space<vmem_shared>>) target_semaphore(%run_scoped3A : memref<!tpu.dma_semaphore, #tpu.memory_space<semaphore_mem>>)
          %dma_wait3A_144 = arith.constant 0 : i32
          %dma_wait3A_145 = arith.constant 0 : i32
          %dma_wait3A_146 = tpu.memref_slice %arg15[%add3A_102, %dma_wait3A_144, %dma_wait3A_145] : memref<50x3x16xf32, #tpu.memory_space<vmem_shared>> -> memref<1x3x16xf32, #tpu.memory_space<vmem_shared>>
          %dma_wait3A_147 = tpu.memref_squeeze %dma_wait3A_146 : memref<1x3x16xf32, #tpu.memory_space<vmem_shared>> -> memref<3x16xf32, #tpu.memory_space<vmem_shared>>
          %dma_wait3A_148 = arith.constant 0 : i32
          %dma_wait3A_149 = arith.constant 0 : i32
          %dma_wait3A_150 = tpu.memref_slice %arg15[%add3A_102, %dma_wait3A_148, %dma_wait3A_149] : memref<50x3x16xf32, #tpu.memory_space<vmem_shared>> -> memref<1x3x16xf32, #tpu.memory_space<vmem_shared>>
          %dma_wait3A_151 = tpu.memref_squeeze %dma_wait3A_150 : memref<1x3x16xf32, #tpu.memory_space<vmem_shared>> -> memref<3x16xf32, #tpu.memory_space<vmem_shared>>
          tpu.wait_dma2 semaphore(%run_scoped3A : memref<!tpu.dma_semaphore, #tpu.memory_space<semaphore_mem>>) src(%arg9 : memref<3x16xf32, #tpu.memory_space<vmem>>) dst(%dma_wait3A_151 : memref<3x16xf32, #tpu.memory_space<vmem_shared>>)
          tpu.yield
        }) : () -> ()
      } else {
      }
      %mul3A_110 = arith.constant 2 : i32
      %mul3A_111 = arith.muli %mul3A_110, %arg1 : i32
      %add3A_112 = arith.constant 1 : i32
      %add3A_113 = arith.addi %mul3A_111, %add3A_112 : i32
      %mul3A_114 = arith.constant 16 : i32
      %mul3A_115 = arith.muli %add3A_113, %mul3A_114 : i32
      %lt3A_116 = arith.constant 400 : i32
      %lt3A_117 = arith.cmpi slt, %mul3A_115, %lt3A_116 : i32
      %convert_element_type3A_118 = arith.extui %lt3A_117 : i1 to i32
      %cond3A_119 = arith.constant 0 : i32
      %cond3A_120 = arith.cmpi ne, %convert_element_type3A_118, %cond3A_119 : i32
      scf.if %cond3A_120 {
        %gt3A = arith.constant 5.000000e-01 : f32
        %gt3A_121 = vector.broadcast %gt3A : f32 to vector<16xf32>
        %gt3A_122 = arith.cmpf ogt, %while3A_98#3, %gt3A_121 : vector<16xf32>
        %jit3A = arith.constant 1.000000e+00 : f32
        %jit3A_123 = arith.constant 0.000000e+00 : f32
        %broadcast_in_dim3A_124 = vector.broadcast %jit3A : f32 to vector<16xf32>
        %broadcast_in_dim3A_125 = vector.broadcast %jit3A_123 : f32 to vector<16xf32>
        %select_n3A = arith.select %gt3A_122, %broadcast_in_dim3A_124, %broadcast_in_dim3A_125 : vector<16xi1>, vector<16xf32>
        %swap3A = arith.constant 0 : i32
        %swap3A_126 = arith.index_cast %swap3A : i32 to index
        %swap3A_127 = arith.constant 0 : index
        %swap3A_128 = tpu.vector_load %arg9[%swap3A_126, %swap3A_127] {strides = array<i32>} : memref<3x16xf32, #tpu.memory_space<vmem>>, vector<16xf32>,
        tpu.vector_store %arg9[%swap3A_126, %swap3A_127], %select_n3A {strides = array<i32>} : memref<3x16xf32, #tpu.memory_space<vmem>>, vector<16xf32>,
        %swap3A_129 = arith.constant 1 : i32
        %swap3A_130 = arith.index_cast %swap3A_129 : i32 to index
        %swap3A_131 = arith.constant 0 : index
        %swap3A_132 = tpu.vector_load %arg9[%swap3A_130, %swap3A_131] {strides = array<i32>} : memref<3x16xf32, #tpu.memory_space<vmem>>, vector<16xf32>,
        tpu.vector_store %arg9[%swap3A_130, %swap3A_131], %while3A_98#4 {strides = array<i32>} : memref<3x16xf32, #tpu.memory_space<vmem>>, vector<16xf32>,
        %swap3A_133 = arith.constant 2 : i32
        %swap3A_134 = arith.index_cast %swap3A_133 : i32 to index
        %swap3A_135 = arith.constant 0 : index
        %swap3A_136 = tpu.vector_load %arg9[%swap3A_134, %swap3A_135] {strides = array<i32>} : memref<3x16xf32, #tpu.memory_space<vmem>>, vector<16xf32>,
        tpu.vector_store %arg9[%swap3A_134, %swap3A_135], %while3A_98#5 {strides = array<i32>} : memref<3x16xf32, #tpu.memory_space<vmem>>, vector<16xf32>,
        "tpu.region"() ({
          %run_scoped3A = tpu.sem_alloc : memref<!tpu.dma_semaphore, #tpu.memory_space<semaphore_mem>>
          %dma_start3A = arith.constant 0 : i32
          %dma_start3A_137 = arith.constant 0 : i32
          %dma_start3A_138 = tpu.memref_slice %arg15[%add3A_113, %dma_start3A, %dma_start3A_137] : memref<50x3x16xf32, #tpu.memory_space<vmem_shared>> -> memref<1x3x16xf32, #tpu.memory_space<vmem_shared>>
          %dma_start3A_139 = tpu.memref_squeeze %dma_start3A_138 : memref<1x3x16xf32, #tpu.memory_space<vmem_shared>> -> memref<3x16xf32, #tpu.memory_space<vmem_shared>>
          %dma_start3A_140 = arith.constant 0 : i32
          %dma_start3A_141 = arith.constant 0 : i32
          %dma_start3A_142 = tpu.memref_slice %arg15[%add3A_113, %dma_start3A_140, %dma_start3A_141] : memref<50x3x16xf32, #tpu.memory_space<vmem_shared>> -> memref<1x3x16xf32, #tpu.memory_space<vmem_shared>>
          %dma_start3A_143 = tpu.memref_squeeze %dma_start3A_142 : memref<1x3x16xf32, #tpu.memory_space<vmem_shared>> -> memref<3x16xf32, #tpu.memory_space<vmem_shared>>
          tpu.enqueue_dma source(%arg9 : memref<3x16xf32, #tpu.memory_space<vmem>>) target(%dma_start3A_143 : memref<3x16xf32, #tpu.memory_space<vmem_shared>>) target_semaphore(%run_scoped3A : memref<!tpu.dma_semaphore, #tpu.memory_space<semaphore_mem>>)
          %dma_wait3A_144 = arith.constant 0 : i32
          %dma_wait3A_145 = arith.constant 0 : i32
          %dma_wait3A_146 = tpu.memref_slice %arg15[%add3A_113, %dma_wait3A_144, %dma_wait3A_145] : memref<50x3x16xf32, #tpu.memory_space<vmem_shared>> -> memref<1x3x16xf32, #tpu.memory_space<vmem_shared>>
          %dma_wait3A_147 = tpu.memref_squeeze %dma_wait3A_146 : memref<1x3x16xf32, #tpu.memory_space<vmem_shared>> -> memref<3x16xf32, #tpu.memory_space<vmem_shared>>
          %dma_wait3A_148 = arith.constant 0 : i32
          %dma_wait3A_149 = arith.constant 0 : i32
          %dma_wait3A_150 = tpu.memref_slice %arg15[%add3A_113, %dma_wait3A_148, %dma_wait3A_149] : memref<50x3x16xf32, #tpu.memory_space<vmem_shared>> -> memref<1x3x16xf32, #tpu.memory_space<vmem_shared>>
          %dma_wait3A_151 = tpu.memref_squeeze %dma_wait3A_150 : memref<1x3x16xf32, #tpu.memory_space<vmem_shared>> -> memref<3x16xf32, #tpu.memory_space<vmem_shared>>
          tpu.wait_dma2 semaphore(%run_scoped3A : memref<!tpu.dma_semaphore, #tpu.memory_space<semaphore_mem>>) src(%arg9 : memref<3x16xf32, #tpu.memory_space<vmem>>) dst(%dma_wait3A_151 : memref<3x16xf32, #tpu.memory_space<vmem_shared>>)
          tpu.yield
        }) : () -> ()
      } else {
      }
    } else {
    }
    "tpu.trace_start"() <{level = 10 : i32, message = "p_barrier"}> : () -> ()
    %barrier3A = arith.constant 0 : index
    tpu.barrier barrier_id(%barrier3A)
    %eq3A = arith.constant 0 : i32
    "tpu.trace_stop"() : () -> ()
    %eq3A_10 = arith.cmpi eq, %arg1, %eq3A : i32
    %convert_element_type3A_11 = arith.extui %eq3A_10 : i1 to i32
    %cond3A_12 = arith.constant 0 : i32
    %cond3A_13 = arith.cmpi ne, %convert_element_type3A_11, %cond3A_12 : i32
    scf.if %cond3A_13 {
      "tpu.region"() ({
        %run_scoped3A = tpu.sem_alloc : memref<!tpu.dma_semaphore, #tpu.memory_space<semaphore_mem>>
        tpu.enqueue_dma source(%arg15 : memref<50x3x16xf32, #tpu.memory_space<vmem_shared>>) target(%arg10 : memref<50x3x16xf32, #tpu.memory_space<vmem>>) target_semaphore(%run_scoped3A : memref<!tpu.dma_semaphore, #tpu.memory_space<semaphore_mem>>)
        tpu.wait_dma2 semaphore(%run_scoped3A : memref<!tpu.dma_semaphore, #tpu.memory_space<semaphore_mem>>) src(%arg15 : memref<50x3x16xf32, #tpu.memory_space<vmem_shared>>) dst(%arg10 : memref<50x3x16xf32, #tpu.memory_space<vmem>>)
        tpu.yield
      }) : () -> ()
      %scan3A = arith.constant 0 : i32
      %scan3A_14 = arith.constant 25 : i32
      %scan3A_15 = arith.addi %scan3A, %scan3A_14 : i32
      %scan3A_16 = arith.constant 1 : i32
      %scan3A_17:2 = scf.for %scan3A_85 = %scan3A to %scan3A_15 step %scan3A_16 iter_args(%scan3A_86 = %broadcast_in_dim3A_2, %scan3A_87 = %broadcast_in_dim3A_4) -> (vector<16xf32>, vector<16xf32>)  : i32 {
        %get3A = arith.constant 1 : i32
        %get3A_88 = arith.index_cast %scan3A_85 : i32 to index
        %get3A_89 = arith.index_cast %get3A : i32 to index
        %get3A_90 = arith.constant 0 : index
        %get3A_91 = tpu.vector_load %arg10[%get3A_88, %get3A_89, %get3A_90] {strides = array<i32>} : memref<50x3x16xf32, #tpu.memory_space<vmem>>, vector<16xf32>,
        %max3A = arith.maximumf %scan3A_86, %get3A_91 : vector<16xf32>
        %get3A_92 = arith.constant 2 : i32
        %get3A_93 = arith.index_cast %scan3A_85 : i32 to index
        %get3A_94 = arith.index_cast %get3A_92 : i32 to index
        %get3A_95 = arith.constant 0 : index
        %get3A_96 = tpu.vector_load %arg10[%get3A_93, %get3A_94, %get3A_95] {strides = array<i32>} : memref<50x3x16xf32, #tpu.memory_space<vmem>>, vector<16xf32>,
        %min3A_97 = arith.minimumf %scan3A_87, %get3A_96 : vector<16xf32>
        scf.yield %max3A, %min3A_97 : vector<16xf32>, vector<16xf32>
      }
      %scan3A_18 = arith.constant 25 : i32
      %reduce_max3A = arith.constant true
      %reduce_max3A_19 = vector.broadcast %reduce_max3A : i1 to vector<16xi1>
      %reduce_max3A_20 = tpu.scan <max>, %scan3A_17#0 masked %reduce_max3A_19 : vector<16xf32>, vector<16xi1> -> vector<16xf32>
      %reduce_max3A_21 = vector.extract %reduce_max3A_20[15] : f32 from vector<16xf32>
      %reduce_min3A = arith.constant true
      %reduce_min3A_22 = vector.broadcast %reduce_min3A : i1 to vector<16xi1>
      %reduce_min3A_23 = tpu.scan <min>, %scan3A_17#1 masked %reduce_min3A_22 : vector<16xf32>, vector<16xi1> -> vector<16xf32>
      %reduce_min3A_24 = vector.extract %reduce_min3A_23[15] : f32 from vector<16xf32>
      %iota3A_25 = tpu.iota {dimensions = array<i32: 0>} : vector<16xi32>
      %broadcast_in_dim3A_26 = arith.constant 0 : i32
      %broadcast_in_dim3A_27 = vector.broadcast %broadcast_in_dim3A_26 : i32 to vector<16xi32>
      %scan3A_28 = arith.constant 0 : i32
      %scan3A_29 = arith.constant 25 : i32
      %scan3A_30 = arith.addi %scan3A_28, %scan3A_29 : i32
      %scan3A_31 = arith.constant 1 : i32
      %scan3A_32 = scf.for %scan3A_85 = %scan3A_28 to %scan3A_30 step %scan3A_31 iter_args(%scan3A_86 = %broadcast_in_dim3A_27) -> (vector<16xi32>)  : i32 {
        %get3A = arith.constant 0 : i32
        %get3A_87 = arith.index_cast %scan3A_85 : i32 to index
        %get3A_88 = arith.index_cast %get3A : i32 to index
        %get3A_89 = arith.constant 0 : index
        %get3A_90 = tpu.vector_load %arg10[%get3A_87, %get3A_88, %get3A_89] {strides = array<i32>} : memref<50x3x16xf32, #tpu.memory_space<vmem>>, vector<16xf32>,
        %gt3A_91 = arith.constant 0.000000e+00 : f32
        %gt3A_92 = vector.broadcast %gt3A_91 : f32 to vector<16xf32>
        %gt3A_93 = arith.cmpf ogt, %get3A_90, %gt3A_92 : vector<16xf32>
        %jit3A_94 = arith.constant 1 : i32
        %jit3A_95 = arith.constant 0 : i32
        %broadcast_in_dim3A_96 = vector.broadcast %jit3A_94 : i32 to vector<16xi32>
        %broadcast_in_dim3A_97 = vector.broadcast %jit3A_95 : i32 to vector<16xi32>
        %select_n3A_98 = arith.select %gt3A_93, %broadcast_in_dim3A_96, %broadcast_in_dim3A_97 : vector<16xi1>, vector<16xi32>
        %broadcast_in_dim3A_99 = arith.constant true
        %broadcast_in_dim3A_100 = vector.broadcast %broadcast_in_dim3A_99 : i1 to vector<16xi1>
        %masked_cumsum3A = tpu.scan <sum>, %select_n3A_98 masked %broadcast_in_dim3A_100 : vector<16xi32>, vector<16xi1> -> vector<16xi32>
        %add3A_101 = arith.addi %scan3A_86, %masked_cumsum3A : vector<16xi32>
        %sub3A = arith.constant 1 : i32
        %sub3A_102 = vector.broadcast %sub3A : i32 to vector<16xi32>
        %sub3A_103 = arith.subi %add3A_101, %sub3A_102 : vector<16xi32>
        %mul3A_104 = arith.constant 16 : i32
        %mul3A_105 = arith.muli %scan3A_85, %mul3A_104 : i32
        %add3A_106 = vector.broadcast %mul3A_105 : i32 to vector<16xi32>
        %add3A_107 = arith.addi %iota3A_25, %add3A_106 : vector<16xi32>
        tpu.vector_store_idx %arg13[%sub3A_103], %add3A_107 masked %gt3A_93 : memref<416xi32, #tpu.memory_space<vmem>>[vector<16xi32>], vector<16xi32>, vector<16xi1>
        %all_reduce_population_count3A = tpu.all_reduce %gt3A_93 {dim = 0 : i64, kind = #tpu.reduction_kind<sum>} : vector<16xi1> -> vector<16xi32>
        %add3A_108 = arith.addi %scan3A_86, %all_reduce_population_count3A : vector<16xi32>
        scf.yield %add3A_108 : vector<16xi32>
      }
      %scan3A_33 = arith.constant 25 : i32
      %add3A = arith.addi %scan3A_32, %iota3A_25 : vector<16xi32>
      %broadcast_in_dim3A_34 = arith.constant 400 : i32
      %broadcast_in_dim3A_35 = vector.broadcast %broadcast_in_dim3A_34 : i32 to vector<16xi32>
      tpu.vector_store_idx %arg13[%add3A], %broadcast_in_dim3A_35 : memref<416xi32, #tpu.memory_space<vmem>>[vector<16xi32>], vector<16xi32>,
      %slice3A = vector.extract_strided_slice %scan3A_32 {offsets = [0], sizes = [1], strides = [1]} : vector<16xi32> to vector<1xi32>
      %squeeze3A = vector.extract %slice3A[0] : i32 from vector<1xi32>
      %min3A = arith.constant 9 : i32
      %min3A_36 = vector.broadcast %min3A : i32 to vector<16xi32>
      %min3A_37 = arith.minsi %iota3A, %min3A_36 : vector<16xi32>
      %broadcast_in_dim3A_38 = arith.constant 400 : i32
      %broadcast_in_dim3A_39 = vector.broadcast %broadcast_in_dim3A_38 : i32 to vector<16xi32>
      tpu.vector_store_idx %arg8[%iota3A, %broadcast_in_dim3A_39], %broadcast_in_dim3A_0 : memref<16x417xf32, #tpu.memory_space<vmem>>[vector<16xi32>, vector<16xi32>], vector<16xf32>,
      %dma_wait3A = arith.constant 0 : i32
      %dma_wait3A_40 = arith.constant 0 : i32
      %dma_wait3A_41 = tpu.memref_slice %arg8[%dma_wait3A, %dma_wait3A_40] : memref<16x417xf32, #tpu.memory_space<vmem>> -> memref<10x400xf32, #tpu.memory_space<vmem>>
      %dma_wait3A_42 = arith.constant 0 : i32
      %dma_wait3A_43 = arith.constant 0 : i32
      %dma_wait3A_44 = tpu.memref_slice %arg8[%dma_wait3A_42, %dma_wait3A_43] : memref<16x417xf32, #tpu.memory_space<vmem>> -> memref<10x400xf32, #tpu.memory_space<vmem>>
      tpu.wait_dma2 semaphore(%arg14 : memref<!tpu.dma_semaphore, #tpu.memory_space<semaphore_mem>>) src(%arg4 : memref<10x400xf32, #tpu.memory_space<hbm>>) dst(%dma_wait3A_44 : memref<10x400xf32, #tpu.memory_space<vmem>>)
      %add3A_45 = arith.constant 7 : i32
      %add3A_46 = arith.addi %squeeze3A, %add3A_45 : i32
      %shift_right_logical3A = arith.constant 3 : i32
      %shift_right_logical3A_47 = arith.shrui %add3A_46, %shift_right_logical3A : i32
      "tpu.trace_start"() <{level = 10 : i32, message = "p_loop2"}> : () -> ()
      %broadcast_in_dim3A_48 = vector.broadcast %reduce_max3A_21 : f32 to vector<16xf32>
      %broadcast_in_dim3A_49 = vector.broadcast %reduce_min3A_24 : f32 to vector<16xf32>
      %while3A = arith.constant 0 : i32
      %while3A_50 = arith.subi %shift_right_logical3A_47, %while3A : i32
      %while3A_51 = arith.addi %while3A, %while3A_50 : i32
      %while3A_52 = arith.constant 1 : i32
      %while3A_53 = arith.divsi %while3A_50, %while3A_52 : i32
      %while3A_54 = arith.muli %while3A_53, %while3A_52 : i32
      %while3A_55 = arith.addi %while3A, %while3A_54 : i32
      %while3A_56 = arith.constant 1 : i32
      %while3A_57:3 = scf.for %while3A_85 = %while3A to %while3A_55 step %while3A_56 iter_args(%while3A_86 = %broadcast_in_dim3A_0, %while3A_87 = %broadcast_in_dim3A_48, %while3A_88 = %broadcast_in_dim3A_49) -> (vector<16xf32>, vector<16xf32>, vector<16xf32>)  : i32 {
        %mul3A_89 = arith.constant 8 : i32
        %mul3A_90 = arith.muli %while3A_85, %mul3A_89 : i32
        %get3A = arith.index_cast %mul3A_90 : i32 to index
        %get3A_91 = tpu.vector_load %arg13[%get3A] {strides = array<i32>} : memref<416xi32, #tpu.memory_space<vmem>>, vector<16xi32>,
        %slice3A_92 = vector.extract_strided_slice %get3A_91 {offsets = [0], sizes = [1], strides = [1]} : vector<16xi32> to vector<1xi32>
        %squeeze3A_93 = vector.extract %slice3A_92[0] : i32 from vector<1xi32>
        %broadcast_in_dim3A_94 = vector.broadcast %squeeze3A_93 : i32 to vector<16xi32>
        %gather3A = tpu.vector_load_idx %arg8[%min3A_37, %broadcast_in_dim3A_94] : memref<16x417xf32, #tpu.memory_space<vmem>>[vector<16xi32>, vector<16xi32>], vector<16xf32>,
        %add3A_95 = arith.addf %while3A_86, %gather3A : vector<16xf32>
        %max3A = arith.maximumf %while3A_87, %add3A_95 : vector<16xf32>
        %min3A_96 = arith.minimumf %while3A_88, %add3A_95 : vector<16xf32>
        %slice3A_97 = vector.extract_strided_slice %get3A_91 {offsets = [1], sizes = [1], strides = [1]} : vector<16xi32> to vector<1xi32>
        %squeeze3A_98 = vector.extract %slice3A_97[0] : i32 from vector<1xi32>
        %broadcast_in_dim3A_99 = vector.broadcast %squeeze3A_98 : i32 to vector<16xi32>
        %gather3A_100 = tpu.vector_load_idx %arg8[%min3A_37, %broadcast_in_dim3A_99] : memref<16x417xf32, #tpu.memory_space<vmem>>[vector<16xi32>, vector<16xi32>], vector<16xf32>,
        %add3A_101 = arith.addf %add3A_95, %gather3A_100 : vector<16xf32>
        %max3A_102 = arith.maximumf %max3A, %add3A_101 : vector<16xf32>
        %min3A_103 = arith.minimumf %min3A_96, %add3A_101 : vector<16xf32>
        %slice3A_104 = vector.extract_strided_slice %get3A_91 {offsets = [2], sizes = [1], strides = [1]} : vector<16xi32> to vector<1xi32>
        %squeeze3A_105 = vector.extract %slice3A_104[0] : i32 from vector<1xi32>
        %broadcast_in_dim3A_106 = vector.broadcast %squeeze3A_105 : i32 to vector<16xi32>
        %gather3A_107 = tpu.vector_load_idx %arg8[%min3A_37, %broadcast_in_dim3A_106] : memref<16x417xf32, #tpu.memory_space<vmem>>[vector<16xi32>, vector<16xi32>], vector<16xf32>,
        %add3A_108 = arith.addf %add3A_101, %gather3A_107 : vector<16xf32>
        %max3A_109 = arith.maximumf %max3A_102, %add3A_108 : vector<16xf32>
        %min3A_110 = arith.minimumf %min3A_103, %add3A_108 : vector<16xf32>
        %slice3A_111 = vector.extract_strided_slice %get3A_91 {offsets = [3], sizes = [1], strides = [1]} : vector<16xi32> to vector<1xi32>
        %squeeze3A_112 = vector.extract %slice3A_111[0] : i32 from vector<1xi32>
        %broadcast_in_dim3A_113 = vector.broadcast %squeeze3A_112 : i32 to vector<16xi32>
        %gather3A_114 = tpu.vector_load_idx %arg8[%min3A_37, %broadcast_in_dim3A_113] : memref<16x417xf32, #tpu.memory_space<vmem>>[vector<16xi32>, vector<16xi32>], vector<16xf32>,
        %add3A_115 = arith.addf %add3A_108, %gather3A_114 : vector<16xf32>
        %max3A_116 = arith.maximumf %max3A_109, %add3A_115 : vector<16xf32>
        %min3A_117 = arith.minimumf %min3A_110, %add3A_115 : vector<16xf32>
        %slice3A_118 = vector.extract_strided_slice %get3A_91 {offsets = [4], sizes = [1], strides = [1]} : vector<16xi32> to vector<1xi32>
        %squeeze3A_119 = vector.extract %slice3A_118[0] : i32 from vector<1xi32>
        %broadcast_in_dim3A_120 = vector.broadcast %squeeze3A_119 : i32 to vector<16xi32>
        %gather3A_121 = tpu.vector_load_idx %arg8[%min3A_37, %broadcast_in_dim3A_120] : memref<16x417xf32, #tpu.memory_space<vmem>>[vector<16xi32>, vector<16xi32>], vector<16xf32>,
        %add3A_122 = arith.addf %add3A_115, %gather3A_121 : vector<16xf32>
        %max3A_123 = arith.maximumf %max3A_116, %add3A_122 : vector<16xf32>
        %min3A_124 = arith.minimumf %min3A_117, %add3A_122 : vector<16xf32>
        %slice3A_125 = vector.extract_strided_slice %get3A_91 {offsets = [5], sizes = [1], strides = [1]} : vector<16xi32> to vector<1xi32>
        %squeeze3A_126 = vector.extract %slice3A_125[0] : i32 from vector<1xi32>
        %broadcast_in_dim3A_127 = vector.broadcast %squeeze3A_126 : i32 to vector<16xi32>
        %gather3A_128 = tpu.vector_load_idx %arg8[%min3A_37, %broadcast_in_dim3A_127] : memref<16x417xf32, #tpu.memory_space<vmem>>[vector<16xi32>, vector<16xi32>], vector<16xf32>,
        %add3A_129 = arith.addf %add3A_122, %gather3A_128 : vector<16xf32>
        %max3A_130 = arith.maximumf %max3A_123, %add3A_129 : vector<16xf32>
        %min3A_131 = arith.minimumf %min3A_124, %add3A_129 : vector<16xf32>
        %slice3A_132 = vector.extract_strided_slice %get3A_91 {offsets = [6], sizes = [1], strides = [1]} : vector<16xi32> to vector<1xi32>
        %squeeze3A_133 = vector.extract %slice3A_132[0] : i32 from vector<1xi32>
        %broadcast_in_dim3A_134 = vector.broadcast %squeeze3A_133 : i32 to vector<16xi32>
        %gather3A_135 = tpu.vector_load_idx %arg8[%min3A_37, %broadcast_in_dim3A_134] : memref<16x417xf32, #tpu.memory_space<vmem>>[vector<16xi32>, vector<16xi32>], vector<16xf32>,
        %add3A_136 = arith.addf %add3A_129, %gather3A_135 : vector<16xf32>
        %max3A_137 = arith.maximumf %max3A_130, %add3A_136 : vector<16xf32>
        %min3A_138 = arith.minimumf %min3A_131, %add3A_136 : vector<16xf32>
        %slice3A_139 = vector.extract_strided_slice %get3A_91 {offsets = [7], sizes = [1], strides = [1]} : vector<16xi32> to vector<1xi32>
        %squeeze3A_140 = vector.extract %slice3A_139[0] : i32 from vector<1xi32>
        %broadcast_in_dim3A_141 = vector.broadcast %squeeze3A_140 : i32 to vector<16xi32>
        %gather3A_142 = tpu.vector_load_idx %arg8[%min3A_37, %broadcast_in_dim3A_141] : memref<16x417xf32, #tpu.memory_space<vmem>>[vector<16xi32>, vector<16xi32>], vector<16xf32>,
        %add3A_143 = arith.addf %add3A_136, %gather3A_142 : vector<16xf32>
        %max3A_144 = arith.maximumf %max3A_137, %add3A_143 : vector<16xf32>
        %min3A_145 = arith.minimumf %min3A_138, %add3A_143 : vector<16xf32>
        scf.yield %add3A_143, %max3A_144, %min3A_145 : vector<16xf32>, vector<16xf32>, vector<16xf32>
      }
      %while3A_58 = arith.constant 1 : i32
      %while3A_59:3 = scf.for %while3A_85 = %while3A_55 to %while3A_51 step %while3A_58 iter_args(%while3A_86 = %while3A_57#0, %while3A_87 = %while3A_57#1, %while3A_88 = %while3A_57#2) -> (vector<16xf32>, vector<16xf32>, vector<16xf32>)  : i32 {
        %mul3A_89 = arith.constant 8 : i32
        %mul3A_90 = arith.muli %while3A_85, %mul3A_89 : i32
        %get3A = arith.index_cast %mul3A_90 : i32 to index
        %get3A_91 = tpu.vector_load %arg13[%get3A] {strides = array<i32>} : memref<416xi32, #tpu.memory_space<vmem>>, vector<16xi32>,
        %slice3A_92 = vector.extract_strided_slice %get3A_91 {offsets = [0], sizes = [1], strides = [1]} : vector<16xi32> to vector<1xi32>
        %squeeze3A_93 = vector.extract %slice3A_92[0] : i32 from vector<1xi32>
        %broadcast_in_dim3A_94 = vector.broadcast %squeeze3A_93 : i32 to vector<16xi32>
        %gather3A = tpu.vector_load_idx %arg8[%min3A_37, %broadcast_in_dim3A_94] : memref<16x417xf32, #tpu.memory_space<vmem>>[vector<16xi32>, vector<16xi32>], vector<16xf32>,
        %add3A_95 = arith.addf %while3A_86, %gather3A : vector<16xf32>
        %max3A = arith.maximumf %while3A_87, %add3A_95 : vector<16xf32>
        %min3A_96 = arith.minimumf %while3A_88, %add3A_95 : vector<16xf32>
        %slice3A_97 = vector.extract_strided_slice %get3A_91 {offsets = [1], sizes = [1], strides = [1]} : vector<16xi32> to vector<1xi32>
        %squeeze3A_98 = vector.extract %slice3A_97[0] : i32 from vector<1xi32>
        %broadcast_in_dim3A_99 = vector.broadcast %squeeze3A_98 : i32 to vector<16xi32>
        %gather3A_100 = tpu.vector_load_idx %arg8[%min3A_37, %broadcast_in_dim3A_99] : memref<16x417xf32, #tpu.memory_space<vmem>>[vector<16xi32>, vector<16xi32>], vector<16xf32>,
        %add3A_101 = arith.addf %add3A_95, %gather3A_100 : vector<16xf32>
        %max3A_102 = arith.maximumf %max3A, %add3A_101 : vector<16xf32>
        %min3A_103 = arith.minimumf %min3A_96, %add3A_101 : vector<16xf32>
        %slice3A_104 = vector.extract_strided_slice %get3A_91 {offsets = [2], sizes = [1], strides = [1]} : vector<16xi32> to vector<1xi32>
        %squeeze3A_105 = vector.extract %slice3A_104[0] : i32 from vector<1xi32>
        %broadcast_in_dim3A_106 = vector.broadcast %squeeze3A_105 : i32 to vector<16xi32>
        %gather3A_107 = tpu.vector_load_idx %arg8[%min3A_37, %broadcast_in_dim3A_106] : memref<16x417xf32, #tpu.memory_space<vmem>>[vector<16xi32>, vector<16xi32>], vector<16xf32>,
        %add3A_108 = arith.addf %add3A_101, %gather3A_107 : vector<16xf32>
        %max3A_109 = arith.maximumf %max3A_102, %add3A_108 : vector<16xf32>
        %min3A_110 = arith.minimumf %min3A_103, %add3A_108 : vector<16xf32>
        %slice3A_111 = vector.extract_strided_slice %get3A_91 {offsets = [3], sizes = [1], strides = [1]} : vector<16xi32> to vector<1xi32>
        %squeeze3A_112 = vector.extract %slice3A_111[0] : i32 from vector<1xi32>
        %broadcast_in_dim3A_113 = vector.broadcast %squeeze3A_112 : i32 to vector<16xi32>
        %gather3A_114 = tpu.vector_load_idx %arg8[%min3A_37, %broadcast_in_dim3A_113] : memref<16x417xf32, #tpu.memory_space<vmem>>[vector<16xi32>, vector<16xi32>], vector<16xf32>,
        %add3A_115 = arith.addf %add3A_108, %gather3A_114 : vector<16xf32>
        %max3A_116 = arith.maximumf %max3A_109, %add3A_115 : vector<16xf32>
        %min3A_117 = arith.minimumf %min3A_110, %add3A_115 : vector<16xf32>
        %slice3A_118 = vector.extract_strided_slice %get3A_91 {offsets = [4], sizes = [1], strides = [1]} : vector<16xi32> to vector<1xi32>
        %squeeze3A_119 = vector.extract %slice3A_118[0] : i32 from vector<1xi32>
        %broadcast_in_dim3A_120 = vector.broadcast %squeeze3A_119 : i32 to vector<16xi32>
        %gather3A_121 = tpu.vector_load_idx %arg8[%min3A_37, %broadcast_in_dim3A_120] : memref<16x417xf32, #tpu.memory_space<vmem>>[vector<16xi32>, vector<16xi32>], vector<16xf32>,
        %add3A_122 = arith.addf %add3A_115, %gather3A_121 : vector<16xf32>
        %max3A_123 = arith.maximumf %max3A_116, %add3A_122 : vector<16xf32>
        %min3A_124 = arith.minimumf %min3A_117, %add3A_122 : vector<16xf32>
        %slice3A_125 = vector.extract_strided_slice %get3A_91 {offsets = [5], sizes = [1], strides = [1]} : vector<16xi32> to vector<1xi32>
        %squeeze3A_126 = vector.extract %slice3A_125[0] : i32 from vector<1xi32>
        %broadcast_in_dim3A_127 = vector.broadcast %squeeze3A_126 : i32 to vector<16xi32>
        %gather3A_128 = tpu.vector_load_idx %arg8[%min3A_37, %broadcast_in_dim3A_127] : memref<16x417xf32, #tpu.memory_space<vmem>>[vector<16xi32>, vector<16xi32>], vector<16xf32>,
        %add3A_129 = arith.addf %add3A_122, %gather3A_128 : vector<16xf32>
        %max3A_130 = arith.maximumf %max3A_123, %add3A_129 : vector<16xf32>
        %min3A_131 = arith.minimumf %min3A_124, %add3A_129 : vector<16xf32>
        %slice3A_132 = vector.extract_strided_slice %get3A_91 {offsets = [6], sizes = [1], strides = [1]} : vector<16xi32> to vector<1xi32>
        %squeeze3A_133 = vector.extract %slice3A_132[0] : i32 from vector<1xi32>
        %broadcast_in_dim3A_134 = vector.broadcast %squeeze3A_133 : i32 to vector<16xi32>
        %gather3A_135 = tpu.vector_load_idx %arg8[%min3A_37, %broadcast_in_dim3A_134] : memref<16x417xf32, #tpu.memory_space<vmem>>[vector<16xi32>, vector<16xi32>], vector<16xf32>,
        %add3A_136 = arith.addf %add3A_129, %gather3A_135 : vector<16xf32>
        %max3A_137 = arith.maximumf %max3A_130, %add3A_136 : vector<16xf32>
        %min3A_138 = arith.minimumf %min3A_131, %add3A_136 : vector<16xf32>
        %slice3A_139 = vector.extract_strided_slice %get3A_91 {offsets = [7], sizes = [1], strides = [1]} : vector<16xi32> to vector<1xi32>
        %squeeze3A_140 = vector.extract %slice3A_139[0] : i32 from vector<1xi32>
        %broadcast_in_dim3A_141 = vector.broadcast %squeeze3A_140 : i32 to vector<16xi32>
        %gather3A_142 = tpu.vector_load_idx %arg8[%min3A_37, %broadcast_in_dim3A_141] : memref<16x417xf32, #tpu.memory_space<vmem>>[vector<16xi32>, vector<16xi32>], vector<16xf32>,
        %add3A_143 = arith.addf %add3A_136, %gather3A_142 : vector<16xf32>
        %max3A_144 = arith.maximumf %max3A_137, %add3A_143 : vector<16xf32>
        %min3A_145 = arith.minimumf %min3A_138, %add3A_143 : vector<16xf32>
        scf.yield %add3A_143, %max3A_144, %min3A_145 : vector<16xf32>, vector<16xf32>, vector<16xf32>
      }
      %lt3A_60 = arith.constant 10 : i32
      "tpu.trace_stop"() : () -> ()
      %lt3A_61 = vector.broadcast %lt3A_60 : i32 to vector<16xi32>
      %lt3A_62 = arith.cmpi slt, %iota3A, %lt3A_61 : vector<16xi32>
      %select_n3A = arith.select %lt3A_62, %while3A_59#1, %broadcast_in_dim3A_2 : vector<16xi1>, vector<16xf32>
      %reduce_max3A_63 = arith.constant true
      %reduce_max3A_64 = vector.broadcast %reduce_max3A_63 : i1 to vector<16xi1>
      %reduce_max3A_65 = tpu.scan <max>, %select_n3A masked %reduce_max3A_64 : vector<16xf32>, vector<16xi1> -> vector<16xf32>
      %reduce_max3A_66 = vector.extract %reduce_max3A_65[15] : f32 from vector<16xf32>
      %select_n3A_67 = arith.select %lt3A_62, %while3A_59#2, %broadcast_in_dim3A_4 : vector<16xi1>, vector<16xf32>
      %reduce_min3A_68 = arith.constant true
      %reduce_min3A_69 = vector.broadcast %reduce_min3A_68 : i1 to vector<16xi1>
      %reduce_min3A_70 = tpu.scan <min>, %select_n3A_67 masked %reduce_min3A_69 : vector<16xf32>, vector<16xi1> -> vector<16xf32>
      %reduce_min3A_71 = vector.extract %reduce_min3A_70[15] : f32 from vector<16xf32>
      %gt3A = arith.constant 5.000000e-01 : f32
      %gt3A_72 = vector.broadcast %gt3A : f32 to vector<16xf32>
      %gt3A_73 = arith.cmpf ogt, %while3A_59#0, %gt3A_72 : vector<16xf32>
      %jit3A = arith.constant 1.000000e+00 : f32
      %jit3A_74 = arith.constant 0.000000e+00 : f32
      %broadcast_in_dim3A_75 = vector.broadcast %jit3A : f32 to vector<16xf32>
      %broadcast_in_dim3A_76 = vector.broadcast %jit3A_74 : f32 to vector<16xf32>
      %select_n3A_77 = arith.select %gt3A_73, %broadcast_in_dim3A_75, %broadcast_in_dim3A_76 : vector<16xi1>, vector<16xf32>
      %swap3A = arith.constant 0 : index
      %swap3A_78 = tpu.vector_load %arg11[%swap3A] {strides = array<i32>} : memref<48xf32, #tpu.memory_space<vmem>>, vector<16xf32>,
      tpu.vector_store %arg11[%swap3A], %select_n3A_77 {strides = array<i32>} : memref<48xf32, #tpu.memory_space<vmem>>, vector<16xf32>,
      %broadcast_in_dim3A_79 = vector.broadcast %reduce_max3A_66 : f32 to vector<16xf32>
      %swap3A_80 = arith.constant 16 : index
      %swap3A_81 = tpu.vector_load %arg11[%swap3A_80] {strides = array<i32>} : memref<48xf32, #tpu.memory_space<vmem>>, vector<16xf32>,
      tpu.vector_store %arg11[%swap3A_80], %broadcast_in_dim3A_79 {strides = array<i32>} : memref<48xf32, #tpu.memory_space<vmem>>, vector<16xf32>,
      %broadcast_in_dim3A_82 = vector.broadcast %reduce_min3A_71 : f32 to vector<16xf32>
      %swap3A_83 = arith.constant 32 : index
      %swap3A_84 = tpu.vector_load %arg11[%swap3A_83] {strides = array<i32>} : memref<48xf32, #tpu.memory_space<vmem>>, vector<16xf32>,
      tpu.vector_store %arg11[%swap3A_83], %broadcast_in_dim3A_82 {strides = array<i32>} : memref<48xf32, #tpu.memory_space<vmem>>, vector<16xf32>,
      "tpu.region"() ({
        %run_scoped3A = tpu.sem_alloc : memref<!tpu.dma_semaphore, #tpu.memory_space<semaphore_mem>>
        tpu.enqueue_dma source(%arg11 : memref<48xf32, #tpu.memory_space<vmem>>) target(%arg5 : memref<48xf32, #tpu.memory_space<hbm>>) target_semaphore(%run_scoped3A : memref<!tpu.dma_semaphore, #tpu.memory_space<semaphore_mem>>)
        tpu.wait_dma2 semaphore(%run_scoped3A : memref<!tpu.dma_semaphore, #tpu.memory_space<semaphore_mem>>) src(%arg11 : memref<48xf32, #tpu.memory_space<vmem>>) dst(%arg5 : memref<48xf32, #tpu.memory_space<hbm>>)
        tpu.yield
      }) : () -> ()
    } else {
    }
    return
  }
}

</mosaic_0001>

<sc_bundles>
// kernel: _snn.3.cloned.1.call-start
scs
__scs_entry_jumppad:
0x0: {  	(pc) =	sbr.rel $0x88, $3  }
0x1: {  	(tag) =	ssettag $0x0;
	lr =	simm.s32 $0x1  }
0x2: {  	[smem:$0x3F9E] =	sst lr;
	_ =	strace $0xD0000000  }
0x3: {  	_ = 	snop  }
0x4: {  	_ = 	snop  }
0x5: {  	_ = 	snop  }
0x6: {  	_ = 	snop  }
0x7: {  	_ = 	snop  }
__scs_overlays_trampoline_lowered:
0x8: {  	[smem:$0x3FAD] =	sst s0  }
0x9: {  	[smem:$0x3FAE] =	sst s1  }
0xa: {  	[smem:$0x3FAF] =	sst s2  }
0xb: {  	[smem:$0x3FB0] =	sst s3  }
0xc: {  	[smem:$0x3FB1] =	sst s4  }
0xd: {  	[smem:$0x3FB2] =	sst s5  }
0xe: {  	[smem:$0x3FB3] =	sst s6  }
0xf: {  	[smem:$0x3FB4] =	sst s7  }
0x10: {  	[smem:$0x3FB5] =	sst s8  }
0x11: {  	[smem:$0x3FB6] =	sst s9;
	s0 =	simm.s32 @!p0 $0x0  }
0x12: {  	s1 =	sld [smem:$0x3F9C];
	s0 =	simm.s32 @p0 $0x1  }
0x13: {  	[smem:$0x3FB7] =	sst s0;
	s0 =	simm.s32 @!p1 $0x0  }
0x14: {  	s2 =	sld [smem:$0x3F9B];
	s0 =	simm.s32 @p1 $0x1  }
0x15: {  	[smem:$0x3FB8] =	sst s0;
	s0 =	simm.s32 @!p2 $0x0  }
0x16: {  	s3 =	sld [smem:$0x3FDB];
	s0 =	simm.s32 @p2 $0x1  }
0x17: {  	s4 =	simm.s32 $0x1BF5;
	[smem:$0x3FBA] =	sst s0  }
0x18: {  	s0 =	sld [smem:$0x3F9D];
	_ =	swait.ge [sflag:s4], $0x0  }
0x19: {  	s7 =	sld [smem:$0x3F9E]  }
0x1a: {  	s8 =	sadd.s32 $0xFFFFE003, lr  }
0x1b: {  	s9 =	sadd.s32 $0xFFFFFEF7, lr;
	s5 =	simm.s32 $0xFFFFFFFF;
	p2 =	slt.u32 s8, $0xFFFFF086  }
0x1c: {  	p1 =	slt.u32 s9, $0xF7A;
	s5 =	simm.s32 @!p2 $0x0  }
0x1d: {  	s5 =	simm.s32 @p1 $0x1;
	p0 =	seq.s32 s7, s2  }
0x1e: {  	s7 =	smul.u32 @!p0 $0xF7A, s2;
	p2 =	seq.s32 @!p0 s5, $0x0  }
0x1f: {  	s9 =	smul.u32 $0xF7A, s1;
	s8 =	simm.s32 @!p0 $0x1BF5;
	p2 =	por !p2, p0  }
0x20: {  	[sflag:s8] =	ssyncset.s32 @!p0 $0xFFFFF086;
	s6 =	sadd.s32 @!p0 s3, s7;
	s7 =	simm.s32 @!p0 $0x108  }
0x21: {  	s3 =	sadd.s32 s3, s9;
	s6 =	sadd.s32 @!p0 $0x88, s6;
	s7 =	simm.s32 @p2 $0x1082  }
0x22: {  	[simem:s7], [sflag:s8] =	dma.local @!p0 [hbm:s6], $0xF7A  }
0x23: {  	s9 =	sor.u32 $0xD0000000, s2;
	s6 =	simm.s32 $0x108;
	_ =	swait.ge @!p0 [sflag:s8], $0x0  }
0x24: {  	s3 =	sadd.s32 $0x88, s3;
	s6 =	simm.s32 @!p1 $0x1082;
	[sflag:s4] =	ssyncset.s32 $0xFFFFF086  }
0x25: {  	[simem:s6], [sflag:s4] =	dma.local [hbm:s3], $0xF7A  }
0x26: {  	[smem:$0x3F9E] =	sst s1;
	(tag) =	ssettag s2;
	_ =	strace s9  }
0x27: {  	s1 =	sld [smem:$0x3FAE]  }
0x28: {  	s2 =	sld [smem:$0x3FAF]  }
0x29: {  	s4 =	sld [smem:$0x3FB1]  }
0x2a: {  	p0 =	seq.s32 s5, $0x0;
	s5 =	sld [smem:$0x3FB2]  }
0x2b: {  	s6 =	sld [smem:$0x3FB3]  }
0x2c: {  	s7 =	sld [smem:$0x3FB4]  }
0x2d: {  	s3 =	simm.s32 $0x108;
	s8 =	sld [smem:$0x3FB5]  }
0x2e: {  	s3 =	simm.s32 @!p0 $0x1082;
	s9 =	sld [smem:$0x3FB6]  }
0x2f: {  	lr =	sadd.s32 s0, s3;
	s0 =	sld [smem:$0x3FAD]  }
0x30: {  	s3 =	sld [smem:$0x3FB0]  }
0x31: {  	[smem:$0x3FB9] =	sst s10  }
0x32: {  	s10 =	sld [smem:$0x3FB7];
	_ =	sdelay $0x3  }
0x33: {  	p0 =	seq.s32 s10, $0x1;
	s10 =	sld [smem:$0x3FB9];
	_ =	sdelay $0x3  }
0x34: {  	[smem:$0x3FB9] =	sst s10  }
0x35: {  	s10 =	sld [smem:$0x3FB8];
	_ =	sdelay $0x3  }
0x36: {  	p1 =	seq.s32 s10, $0x1;
	s10 =	sld [smem:$0x3FB9];
	_ =	sdelay $0x3  }
0x37: {  	[smem:$0x3FB9] =	sst s10  }
0x38: {  	s10 =	sld [smem:$0x3FBA]  }
0x39: {  	_ = 	snop;
	(pc) =	sbr.ind lr, $3  }
0x3a: {  	_ = 	snop  }
0x3b: {  	_ = 	snop  }
0x3c: {  	p2 =	seq.s32 s10, $0x1;
	s10 =	sld [smem:$0x3FB9]  }
0x3d: {  	_ =	shalt  }
0x3e: {  	_ =	shalt  }
0x3f: {  	_ =	shalt  }
0x40: {  	_ =	shalt  }
0x41: {  	_ =	shalt  }
0x42: {  	_ =	shalt  }
0x43: {  	_ =	shalt  }
0x44: {  	_ =	shalt  }
0x45: {  	_ =	shalt  }
0x46: {  	_ =	shalt  }
0x47: {  	_ =	shalt  }
0x48: {  	_ =	shalt  }
0x49: {  	_ =	shalt  }
0x4a: {  	_ =	shalt  }
0x4b: {  	_ =	shalt  }
0x4c: {  	_ =	shalt  }
0x4d: {  	_ =	shalt  }
0x4e: {  	_ =	shalt  }
0x4f: {  	_ =	shalt  }
0x50: {  	_ =	shalt  }
0x51: {  	_ =	shalt  }
0x52: {  	_ =	shalt  }
0x53: {  	_ =	shalt  }
0x54: {  	_ =	shalt  }
0x55: {  	_ =	shalt  }
0x56: {  	_ =	shalt  }
0x57: {  	_ =	shalt  }
0x58: {  	_ =	shalt  }
0x59: {  	_ =	shalt  }
0x5a: {  	_ =	shalt  }
0x5b: {  	_ =	shalt  }
0x5c: {  	_ =	shalt  }
0x5d: {  	_ =	shalt  }
0x5e: {  	_ =	shalt  }
0x5f: {  	_ =	shalt  }
0x60: {  	_ =	shalt  }
0x61: {  	_ =	shalt  }
0x62: {  	_ =	shalt  }
0x63: {  	_ =	shalt  }
0x64: {  	_ =	shalt  }
0x65: {  	_ =	shalt  }
0x66: {  	_ =	shalt  }
0x67: {  	_ =	shalt  }
0x68: {  	_ =	shalt  }
0x69: {  	_ =	shalt  }
0x6a: {  	_ =	shalt  }
0x6b: {  	_ =	shalt  }
0x6c: {  	_ =	shalt  }
0x6d: {  	_ =	shalt  }
0x6e: {  	_ =	shalt  }
0x6f: {  	_ =	shalt  }
0x70: {  	_ =	shalt  }
0x71: {  	_ =	shalt  }
0x72: {  	_ =	shalt  }
0x73: {  	_ =	shalt  }
0x74: {  	_ =	shalt  }
0x75: {  	_ =	shalt  }
0x76: {  	_ =	shalt  }
0x77: {  	_ =	shalt  }
0x78: {  	_ =	shalt  }
0x79: {  	_ =	shalt  }
0x7a: {  	_ =	shalt  }
0x7b: {  	_ =	shalt  }
0x7c: {  	_ =	shalt  }
0x7d: {  	_ =	shalt  }
0x7e: {  	_ =	shalt  }
0x7f: {  	_ =	shalt  }
0x80: {  	_ =	shalt  }
0x81: {  	_ =	shalt  }
0x82: {  	_ =	shalt  }
0x83: {  	_ =	shalt  }
0x84: {  	_ =	shalt  }
0x85: {  	_ =	shalt  }
0x86: {  	_ =	shalt  }
0x87: {  	_ =	shalt  }
.Lfunc_end0:
.L_simem_size_0:
called_computation_lowered:
.L_overlay_start_0:
0x88: {  	s0 =	sld [smem:$0x3FD9]  }
0x89: {  	s1 =	sld [smem:$0x3FFE];
	_ =	sdelay $0x3  }
0x8a: {  	s0 =	sadd.s32 s1, s0  }
0x8b: {  	[smem:$0x3FC5] =	sst s0  }
0x8c: {  	_ = 	snop  }
0x8d: {  	s0 =	sld [smem:$0x3FC9]  }
0x8e: {  	s16 =	sld [smem:$0x3FD0];
	(tm) =	ssettm $0x1  }
0x8f: {  	s2 =	sld [smem:$0x3FFB];
	_ =	sdelay $0x3  }
0x90: {  	_ =	strace s2  }
0x91: {  	s2 =	sld [smem:$0x3FFC];
	_ =	sdelay $0x3  }
0x92: {  	_ =	strace s2  }
0x93: {  	s2 =	sld [smem:$0x3FFD];
	_ =	sdelay $0x3  }
0x94: {  	_ =	strace s2  }
0x95: {  	_ =	strace $0x8FFFFFFF  }
0x96: {  	s17 =	sld [smem:$0x3FDB];
	_ =	sdelay $0x1  }
0x97: {  	s3 =	simm.s32 $_scs_section_size  }
0x98: {  	s4 =	simm.s32 $_size__tile_overlayer_lowered;
	s5 =	simm.s32 $_tile_overlayer_lowered  }
0x99: {  	s20 =	simm.s32 $0x1BFF;
	s19 =	sshll.u32 s5, $0x1;
	s2 =	sadd.s32 s3, s17  }
0x9a: {  	s6 =	simm.s32 $0x0;
	s18 =	sshll.u32 s4, $0x1;
	s4 =	sadd.s32 s19, s2  }
0x9b: {  	[timem:s6], [sflag:s20] =	dma.local [hbm:s4], s18  }
0x9c: {  	_ =	swait.ge [sflag:s20], s18  }
0x9d: {  	s3 =	ssub.s32 $0x0, s18;
	[sflag:s20] =	ssyncset.done $0x0  }
0x9e: {  	[sflag:s20] =	ssyncadd.s32 s3;
	_ =	sdelay $0x1  }
0x9f: {  	s21 =	simm.s32 $0x1B8B  }
0xa0: {  	_ =	swait.ge [sflag:s21], $0x1  }
0xa1: {  	[sflag:s21] =	ssyncset.done $0x0  }
0xa2: {  	s23 =	simm.s32 $0x1B8E;
	s22 =	sld [smem:$0x3FFE];
	[sflag:s21] =	ssyncadd.s32 $0xFFFFFFFF  }
0xa3: {  	s24 =	simm.s32 $execute0_lowered;
	[smem:$0x3FD2] =	sst s23  }
0xa4: {  	s4 =	sshll.u32 s24, $0x1;
	_ =	strace $0x80000046;
	[dreg:$0x1] =	wrdreg $0xFFFFFFFF  }
0xa5: {  	s25 =	simm.s32 $_size_execute0_lowered;
	s2 =	sadd.s32 s2, s4;
	[dreg:$0x0] =	wrdreg $0x0  }
0xa6: {  	s4 =	sshll.u32 s25, $0x1;
	[dreg:$0x2] =	wrdreg s2  }
0xa7: {  	[dreg:$0x3] =	wrdreg s4  }
0xa8: {  	[dreg:$0x4] =	wrdreg $0xC0  }
0xa9: {  	_ =	task [dreg:s6], $0x5FFFF  }
0xaa: {  	[dreg:$0x1] =	wrdreg $0xFFFFFFFF  }
0xab: {  	[dreg:$0x0] =	wrdreg $0x60  }
0xac: {  	[dreg:$0x2] =	wrdreg s0  }
0xad: {  	[dreg:$0x3] =	wrdreg s22  }
0xae: {  	[dreg:$0x4] =	wrdreg s16  }
0xaf: {  	[dreg:$0x5] =	wrdreg $0x91100  }
0xb0: {  	[dreg:$0x6] =	wrdreg $0x9  }
0xb1: {  	_ =	task.clear_ibuf [dreg:s6], $0x7FFFF;
	_ =	strace $0x90000046  }
0xb2: {  	s26 =	simm.s32 $0x9;
	_ =	strace $0x8000004D  }
0xb3: {  	_ =	swait.ge [sflag:s26], $0x1  }
0xb4: {  	[sflag:s26] =	ssyncadd.s32 $0xFFFFFFFF  }
0xb5: {  	_ =	strace $0x9000004D  }
0xb6: {  	_ =	sfence  }
0xb7: {  	s28 =	sld [smem:$0x0];
	_ =	sdelay $0x1  }
0xb8: {  	s29 =	srdreg.scid  }
0xb9: {  	s30 =	sshll.u32 s29, $0xD;
	s31 =	sshrl.u32 s29, $0x2  }
0xba: {  	s1 =	sand.u32 $0x1, s29;
	s2 =	sand.u32 $0x4000, s30;
	s0 =	sadd.s32 s31, s28  }
0xbb: {  	s1 =	sor.u32 s2, s1;
	s0 =	sshll.u32 s0, $0x11  }
0xbc: {  	s0 =	sor.u32 s0, s1  }
0xbd: {  	s0 =	sadd.s32 $0x8F2B, s0  }
0xbe: {  	[sflag:s0] =	ssyncadd.remote.s32 $0x1  }
0xbf: {  	_ =	sfence.sel $0xFFFF  }
0xc0: {  	[dreg:$0x0] =	wrdreg $0xFFFFFFFF;
	(pc) =	sbr.abs _section_cstart, $3  }
0xc1: {  	[dreg:$0x1] =	wrdreg $0xFFFFFFFF  }
0xc2: {  	_ =	task.clear_ibuf [dreg:s6], $0x2FFFF;
	_ =	strace $0x9FFFFFFF  }
0xc3: {  	(tm) =	ssettm $0x7FFFFFFF  }
tec
execute0_lowered:
.L_overlay_start_1:
0x0: {  	(tag) =	ssettag $0x1  }
0x1: {  	s1 =	stileid.u32  }
0x2: {  	s4 =	rddreg [dreg:$0x0];
	p0 =	slt.u32 s1, $0xD  }
.Ltmp0:
0x3: {  	s5 =	rddreg [dreg:$0x1];
	(pc) =	sbr.rel @!p0 .LBB2_1-.Ltmp0, $4  }
0x4: {  	s2 =	rddreg [dreg:$0x2]  }
0x5: {  	s3 =	rddreg [dreg:$0x3];
	s6 =	simm.s32 $0x0  }
0x6: {  	[smem:$0x7FF] =	sst s6  }
0x7: {  	s0 =	rddreg [dreg:$0x4];
	_ =	strace $0x80000047  }
0x8: {  	s7 =	smul.u32 $0xC40, s1  }
0x9: {  	s8 =	sadd.s32 $0x600, s5  }
0xa: {  	s9 =	sadd.s32 s8, s7  }
0xb: {  	[tilespmem:s6], [sflag:$0x1] =	stream.linear.gather [hbm4b:s9+s6], $0x310, $0x38;
	[tilespmem:$0x91A8] =	vst v63  }
0xc: {  	s10 =	simm.s32 $0x328;
	s7 =	sadd.s32 $0x62, s9  }
0xd: {  	[tilespmem:s10], [sflag:$0x1] =	stream.linear.gather [hbm4b:s7+s6], $0x310, $0x38;
	[tilespmem:$0x91A8] =	vst v63  }
0xe: {  	s22 =	simm.s32 $0x650;
	s21 =	sadd.s32 $0xC4, s9  }
0xf: {  	[tilespmem:s22], [sflag:$0x1] =	stream.linear.gather [hbm4b:s21+s6], $0x310, $0x38;
	[tilespmem:$0x91A8] =	vst v63  }
0x10: {  	s24 =	simm.s32 $0x978;
	s23 =	sadd.s32 $0x126, s9  }
0x11: {  	[tilespmem:s24], [sflag:$0x1] =	stream.linear.gather [hbm4b:s23+s6], $0x310, $0x38;
	[tilespmem:$0x91A8] =	vst v63  }
0x12: {  	s26 =	simm.s32 $0xCA0;
	s25 =	sadd.s32 $0x188, s9  }
0x13: {  	[tilespmem:s26], [sflag:$0x1] =	stream.linear.gather [hbm4b:s25+s6], $0x310, $0x38;
	[tilespmem:$0x91A8] =	vst v63  }
0x14: {  	s29 =	simm.s32 $0xFC8;
	s28 =	sadd.s32 $0x1EA, s9  }
0x15: {  	[tilespmem:s29], [sflag:$0x1] =	stream.linear.gather [hbm4b:s28+s6], $0x310, $0x38;
	[tilespmem:$0x91A8] =	vst v63  }
0x16: {  	s31 =	simm.s32 $0x12F0;
	s30 =	sadd.s32 $0x24C, s9  }
0x17: {  	[tilespmem:s31], [sflag:$0x1] =	stream.linear.gather [hbm4b:s30+s6], $0x310, $0x38;
	[tilespmem:$0x91A8] =	vst v63  }
0x18: {  	s12 =	simm.s32 $0x1618;
	s11 =	sadd.s32 $0x2AE, s9  }
0x19: {  	[tilespmem:s12], [sflag:$0x1] =	stream.linear.gather [hbm4b:s11+s6], $0x310, $0x38;
	[tilespmem:$0x91A8] =	vst v63  }
0x1a: {  	s14 =	simm.s32 $0x1940;
	s13 =	sadd.s32 $0x310, s9  }
0x1b: {  	[tilespmem:s14], [sflag:$0x1] =	stream.linear.gather [hbm4b:s13+s6], $0x310, $0x38;
	[tilespmem:$0x91A8] =	vst v63  }
0x1c: {  	s16 =	simm.s32 $0x1C68;
	s15 =	sadd.s32 $0x372, s9  }
0x1d: {  	[tilespmem:s16], [sflag:$0x1] =	stream.linear.gather [hbm4b:s15+s6], $0x310, $0x38;
	[tilespmem:$0x91A8] =	vst v63  }
0x1e: {  	s18 =	simm.s32 $0x1F90;
	s17 =	sadd.s32 $0x3D4, s9  }
0x1f: {  	[tilespmem:s18], [sflag:$0x1] =	stream.linear.gather [hbm4b:s17+s6], $0x310, $0x38;
	[tilespmem:$0x91A8] =	vst v63  }
0x20: {  	s20 =	simm.s32 $0x22B8;
	s19 =	sadd.s32 $0x436, s9  }
0x21: {  	[tilespmem:s20], [sflag:$0x1] =	stream.linear.gather [hbm4b:s19+s6], $0x310, $0x38;
	[tilespmem:$0x91A8] =	vst v63  }
0x22: {  	s21 =	sadd.s32 $0x498, s9;
	s22 =	simm.s32 $0x25E0  }
0x23: {  	[tilespmem:s22], [sflag:$0x1] =	stream.linear.gather [hbm4b:s21+s6], $0x310, $0x38;
	[tilespmem:$0x91A8] =	vst v63  }
0x24: {  	s23 =	sshllo.u32 s1, $0x1;
	s24 =	sadd.s32 $0x4FA, s9;
	s11 =	simm.s32 $0x2908  }
0x25: {  	[tilespmem:s11], [sflag:$0x1] =	stream.linear.gather [hbm4b:s24+s6], $0x310, $0x38;
	[tilespmem:$0x91A8] =	vst v63  }
0x26: {  	p0 =	sgt.u32 s23, $0x18;
	s26 =	sadd.s32 $0x55C, s9;
	s12 =	simm.s32 $0x2C30  }
0x27: {  	[tilespmem:s12], [sflag:$0x1] =	stream.linear.gather [hbm4b:s26+s6], $0x310, $0x38;
	[tilespmem:$0x91A8] =	vst v63  }
0x28: {  	s25 =	smul.u32 $0x620, s23;
	s9 =	sadd.s32 $0x5BE, s9;
	s28 =	simm.s32 $0x2F58  }
0x29: {  	[tilespmem:s28], [sflag:$0x1] =	stream.linear.gather [hbm4b:s9+s6], $0x310, $0x38;
	[tilespmem:$0x91A8] =	vst v63  }
0x2a: {  	s10 =	simm.s32 @!p0 $0x3280;
	s8 =	sadd.s32 s8, s25;
	s9 =	simm.s32 @!p0 $0x0  }
0x2b: {  	[tilespmem:s10], [sflag:$0x1] =	stream.linear.gather @!p0 [hbm4b:s8+s9], $0x310, $0x38;
	[tilespmem:$0x91A8] =	vst v63  }
0x2c: {  	s11 =	simm.s32 @!p0 $0x35A8;
	s10 =	sadd.s32 @!p0 $0x62, s8  }
0x2d: {  	[tilespmem:s11], [sflag:$0x1] =	stream.linear.gather @!p0 [hbm4b:s10+s9], $0x310, $0x38;
	[tilespmem:$0x91A8] =	vst v63  }
0x2e: {  	s10 =	sadd.s32 @!p0 $0xC4, s8;
	s11 =	simm.s32 @!p0 $0x38D0  }
0x2f: {  	[tilespmem:s11], [sflag:$0x1] =	stream.linear.gather @!p0 [hbm4b:s10+s9], $0x310, $0x38;
	[tilespmem:$0x91A8] =	vst v63  }
0x30: {  	s10 =	sadd.s32 @!p0 $0x126, s8;
	s11 =	simm.s32 @!p0 $0x3BF8  }
0x31: {  	[tilespmem:s11], [sflag:$0x1] =	stream.linear.gather @!p0 [hbm4b:s10+s9], $0x310, $0x38;
	[tilespmem:$0x91A8] =	vst v63  }
0x32: {  	s10 =	sadd.s32 @!p0 $0x188, s8;
	s11 =	simm.s32 @!p0 $0x3F20  }
0x33: {  	[tilespmem:s11], [sflag:$0x1] =	stream.linear.gather @!p0 [hbm4b:s10+s9], $0x310, $0x38;
	[tilespmem:$0x91A8] =	vst v63  }
0x34: {  	s10 =	sadd.s32 @!p0 $0x1EA, s8;
	s11 =	simm.s32 @!p0 $0x4248  }
0x35: {  	[tilespmem:s11], [sflag:$0x1] =	stream.linear.gather @!p0 [hbm4b:s10+s9], $0x310, $0x38;
	[tilespmem:$0x91A8] =	vst v63  }
0x36: {  	s10 =	sadd.s32 @!p0 $0x24C, s8;
	s11 =	simm.s32 @!p0 $0x4570  }
0x37: {  	[tilespmem:s11], [sflag:$0x1] =	stream.linear.gather @!p0 [hbm4b:s10+s9], $0x310, $0x38;
	[tilespmem:$0x91A8] =	vst v63  }
0x38: {  	s10 =	sadd.s32 @!p0 $0x2AE, s8;
	s11 =	simm.s32 @!p0 $0x4898  }
0x39: {  	[tilespmem:s11], [sflag:$0x1] =	stream.linear.gather @!p0 [hbm4b:s10+s9], $0x310, $0x38;
	[tilespmem:$0x91A8] =	vst v63  }
0x3a: {  	s10 =	sadd.s32 @!p0 $0x310, s8;
	s11 =	simm.s32 @!p0 $0x4BC0  }
0x3b: {  	[tilespmem:s11], [sflag:$0x1] =	stream.linear.gather @!p0 [hbm4b:s10+s9], $0x310, $0x38;
	[tilespmem:$0x91A8] =	vst v63  }
0x3c: {  	s10 =	sadd.s32 @!p0 $0x372, s8;
	s11 =	simm.s32 @!p0 $0x4EE8  }
0x3d: {  	[tilespmem:s11], [sflag:$0x1] =	stream.linear.gather @!p0 [hbm4b:s10+s9], $0x310, $0x38;
	[tilespmem:$0x91A8] =	vst v63  }
0x3e: {  	s10 =	sadd.s32 @!p0 $0x3D4, s8;
	s11 =	simm.s32 @!p0 $0x5210  }
0x3f: {  	[tilespmem:s11], [sflag:$0x1] =	stream.linear.gather @!p0 [hbm4b:s10+s9], $0x310, $0x38;
	[tilespmem:$0x91A8] =	vst v63  }
0x40: {  	s10 =	sadd.s32 @!p0 $0x436, s8;
	s11 =	simm.s32 @!p0 $0x5538  }
0x41: {  	[tilespmem:s11], [sflag:$0x1] =	stream.linear.gather @!p0 [hbm4b:s10+s9], $0x310, $0x38;
	[tilespmem:$0x91A8] =	vst v63  }
0x42: {  	s10 =	sadd.s32 @!p0 $0x498, s8;
	s11 =	simm.s32 @!p0 $0x5860  }
0x43: {  	[tilespmem:s11], [sflag:$0x1] =	stream.linear.gather @!p0 [hbm4b:s10+s9], $0x310, $0x38;
	[tilespmem:$0x91A8] =	vst v63  }
0x44: {  	s10 =	sadd.s32 @!p0 $0x4FA, s8;
	s11 =	simm.s32 @!p0 $0x5B88  }
0x45: {  	[tilespmem:s11], [sflag:$0x1] =	stream.linear.gather @!p0 [hbm4b:s10+s9], $0x310, $0x38;
	[tilespmem:$0x91A8] =	vst v63  }
0x46: {  	s10 =	sadd.s32 @!p0 $0x55C, s8;
	s11 =	simm.s32 @!p0 $0x5EB0  }
0x47: {  	[tilespmem:s11], [sflag:$0x1] =	stream.linear.gather @!p0 [hbm4b:s10+s9], $0x310, $0x38;
	[tilespmem:$0x91A8] =	vst v63  }
0x48: {  	p1 =	sne.s32 s1, $0x0;
	s8 =	sadd.s32 @!p0 $0x5BE, s8;
	s10 =	simm.s32 @!p0 $0x61D8  }
0x49: {  	[tilespmem:s10], [sflag:$0x1] =	stream.linear.gather @!p0 [hbm4b:s8+s9], $0x310, $0x38;
	[tilespmem:$0x91A8] =	vst v63  }
0x4a: {  	s5 =	sadd.s32 $0x400, s5;
	s8 =	simm.s32 @!p1 $0x0;
	s9 =	simm.s32 @!p1 $0x6810  }
0x4b: {  	[tilespmem:s9], [sflag:$0x1] =	stream.linear.gather @!p1 [hbm4b:s5+s8], $0x190, $0x38;
	[tilespmem:$0x91A8] =	vst v63  }
0x4c: {  	s10 =	simm.s32 @!p1 $0x69B8;
	s9 =	sadd.s32 @!p1 $0x32, s5  }
0x4d: {  	[tilespmem:s10], [sflag:$0x1] =	stream.linear.gather @!p1 [hbm4b:s9+s8], $0x190, $0x38;
	[tilespmem:$0x91A8] =	vst v63  }
0x4e: {  	s9 =	sadd.s32 @!p1 $0x64, s5;
	s10 =	simm.s32 @!p1 $0x6B60  }
0x4f: {  	[tilespmem:s10], [sflag:$0x1] =	stream.linear.gather @!p1 [hbm4b:s9+s8], $0x190, $0x38;
	[tilespmem:$0x91A8] =	vst v63  }
0x50: {  	s9 =	sadd.s32 @!p1 $0x96, s5;
	s10 =	simm.s32 @!p1 $0x6D08  }
0x51: {  	[tilespmem:s10], [sflag:$0x1] =	stream.linear.gather @!p1 [hbm4b:s9+s8], $0x190, $0x38;
	[tilespmem:$0x91A8] =	vst v63  }
0x52: {  	s9 =	sadd.s32 @!p1 $0xC8, s5;
	s10 =	simm.s32 @!p1 $0x6EB0  }
0x53: {  	[tilespmem:s10], [sflag:$0x1] =	stream.linear.gather @!p1 [hbm4b:s9+s8], $0x190, $0x38;
	[tilespmem:$0x91A8] =	vst v63  }
0x54: {  	s9 =	sadd.s32 @!p1 $0xFA, s5;
	s10 =	simm.s32 @!p1 $0x7058  }
0x55: {  	[tilespmem:s10], [sflag:$0x1] =	stream.linear.gather @!p1 [hbm4b:s9+s8], $0x190, $0x38;
	[tilespmem:$0x91A8] =	vst v63  }
0x56: {  	s9 =	sadd.s32 @!p1 $0x12C, s5;
	s10 =	simm.s32 @!p1 $0x7200  }
0x57: {  	[tilespmem:s10], [sflag:$0x1] =	stream.linear.gather @!p1 [hbm4b:s9+s8], $0x190, $0x38;
	[tilespmem:$0x91A8] =	vst v63  }
0x58: {  	s9 =	sadd.s32 @!p1 $0x15E, s5;
	s10 =	simm.s32 @!p1 $0x73A8  }
0x59: {  	[tilespmem:s10], [sflag:$0x1] =	stream.linear.gather @!p1 [hbm4b:s9+s8], $0x190, $0x38;
	[tilespmem:$0x91A8] =	vst v63  }
0x5a: {  	s9 =	sadd.s32 @!p1 $0x190, s5;
	s10 =	simm.s32 @!p1 $0x7550  }
0x5b: {  	[tilespmem:s10], [sflag:$0x1] =	stream.linear.gather @!p1 [hbm4b:s9+s8], $0x190, $0x38;
	[tilespmem:$0x91A8] =	vst v63  }
0x5c: {  	s7 =	smul.u32 $0xC0, s23;
	s5 =	sadd.s32 @!p1 $0x1C2, s5;
	s9 =	simm.s32 @!p1 $0x76F8  }
0x5d: {  	[tilespmem:s9], [sflag:$0x1] =	stream.linear.gather @!p1 [hbm4b:s5+s8], $0x190, $0x38;
	[tilespmem:$0x91A8] =	vst v63  }
0x5e: {  	s30 =	simm.s32 $0x2;
	s8 =	simm.s32 $0x6500;
	_ =	strace $0x80000048  }
0x5f: {  	[tilespmem:s8], [sflag:$0x2] =	stream.linear.gather [hbm4b:s4+s6], $0x310, $0x200038;
	[tilespmem:$0x91A8] =	vst v63  }
0x60: {  	s29 =	smul.u32 $0x180, s1;
	_ =	swait.ge [sflag:s30], $0x310  }
0x61: {  	s31 =	sshrl.u32 s7, $0x2;
	[sflag:s30] =	ssyncset.done $0x0  }
0x62: {  	v1 =	vimm.s32 $0x0;
	s7 =	simm.s32 $0x8C50;
	s4 =	sshrl.u32 s29, $0x2;
	[sflag:s30] =	ssyncadd.s32 $0xFFFFFCF0  }
0x63: {  	v0 =	vlaneseq.u32;
	v3 =	vimm.s32 $0x0;
	v2 =	vimm.s32 $0x0;
	s9 =	simm.s32 $0x10;
	s5 =	sadd.s32 s4, s3;
	s4 =	sadd.s32 s31, s3;
	v4 =	vld [tilespmem:s8+$0x0]  }
.LBB2_3:
0x64: {  	p2 =	sne.s32 s9, $0x300;
	_ =	sdelay $0x3  }
0x65: {  	vm0 =	vgt.f32 v4, $0.0e+00  }
0x66: {  	v4 =	vsel vm0, $0x1, v1;
	v5 =	vmpcnt.ones.xlane vm0  }
0x67: {  	(xrf0) =	vadd.scan.msk.s32 $0xffff, v4  }
0x68: {  	v3 =	vadd.s32 v3, v5;
	_ =	sdelay $0x4  }
0x69: {  	v4, _, _ =	vpop (xrf0)  }
0x6a: {  	v4 =	vadd.s32 v4, v2;
	v2 =	vmov v3  }
0x6b: {  	v4 =	vadd.s32 $0xFFFFFFFF, v4;
	_ =	sdelay $0x1  }
.Ltmp1:
0x6c: {  	(pc) =	sbr.rel @p2 .LBB2_3-.Ltmp1, $4  }
0x6d: {  	_ = 	snop  }
0x6e: {  	v5 =	vor.u32 s6, v0;
	s6 =	smov.u32 s9  }
0x6f: {  	s8 =	sadd.s32 $0x10, s8;
	[tilespmem:v4+s7+$0x0] =	vst.idx.msk vm0, v5  }
0x70: {  	s9 =	sadd.s32 $0x10, s9;
	v4 =	vld [tilespmem:s8+$0x0]  }
0x71: {  	_ =	sdelay $0x3  }
0x72: {  	vm0 =	vgt.f32 v4, $0.0e+00  }
0x73: {  	v4 =	vmpcnt.ones.xlane vm0;
	_ =	sdelay $0x1  }
0x74: {  	v3 =	vadd.s32 v3, v4  }
0x75: {  	v1 =	vsel vm0, $0x1, v1;
	(v2sf) =	vpush v3, $0x0  }
0x76: {  	(xrf0) =	vadd.scan.msk.s32 $0xffff, v1;
	_ =	sdelay $0x5  }
0x77: {  	v1, _, _ =	vpop (xrf0)  }
0x78: {  	v1 =	vadd.s32 v1, v2  }
0x79: {  	v2 =	vlaneseq.u32;
	v1 =	vadd.s32 $0xFFFFFFFF, v1  }
0x7a: {  	v3 =	vadd.s32 v2, v3;
	_ =	sdelay $0x2  }
0x7b: {  	v0 =	vor.u32 s6, v0  }
0x7c: {  	s8 =	simm.s32 $0x8C50;
	[tilespmem:v1+s7+$0x0] =	vst.idx.msk vm0, v0;
	v0 =	vimm.s32 $0x310  }
0x7d: {  	[tilespmem:v3+s8+$0x0] =	vst.idx.msk $0xffff, v0;
	s30 =	spop (v2sf)  }
0x7e: {  	_ =	strace $0x90000048  }
0x7f: {  	s31 =	simm.s32 $0x1;
	v2 =	vmul.u32 $0x328, v2;
	_ =	strace $0x80000049  }
0x80: {  	_ =	swait.ge [sflag:s31], $0x3100  }
0x81: {  	v0 =	vadd.s32 $0x310, v2;
	s7 =	sadd.s32 $0x7, s30;
	[sflag:s31] =	ssyncset.done $0x0  }
0x82: {  	s6 =	simm.s32 @!p0 $0x1;
	v1 =	vadd.s32 $0x3590, v2;
	s7 =	sshrl.u32 s7, $0x3;
	[sflag:s31] =	ssyncadd.s32 $0xFFFFCF00  }
0x83: {  	p2 =	seq.s32 s7, $0x0;
	_ =	swait.ge @!p0 [sflag:s6], $0x3100  }
.Ltmp2:
0x84: {  	[sflag:s6] =	ssyncset.done @!p0 $0x0;
	(pc) =	sbr.rel @p2 .LBB2_5-.Ltmp2, $4  }
0x85: {  	v3 =	vimm.f32 $0.0e+00;
	[sflag:s6] =	ssyncadd.s32 @!p0 $0xFFFFCF00;
	s6 =	simm.s32 $0x0  }
0x86: {  	_ =	strace $0x90000049;
	[tilespmem:v0+s6+$0x0] =	vst.idx.msk $0xffff, v3  }
0x87: {  	[tilespmem:v1+s6+$0x0] =	vst.idx.msk $0xffff, v3  }
0x88: {  	v0 =	vimm.f32 $-Inf;
	v1 =	vimm.f32 $+Inf;
	_ =	strace $0x8000004A  }
0x89: {  	v5 =	vld [tilespmem:s8+$0x0];
	_ =	sdelay $0x4  }
0x8a: {  	v14 =	vbroadcast v5, $0x0  }
0x8b: {  	v37 =	vbroadcast v5, $0x6  }
0x8c: {  	p3 =	sne.s32 s7, $0x1;
	v36 =	vbroadcast v5, $0x7;
	v6 =	vbroadcast v5, $0x5;
	v9 =	vadd.s32 v2, v14  }
.Ltmp3:
0x8d: {  	v11 =	vbroadcast v5, $0x3;
	v8 =	vbroadcast v5, $0x4;
	(pc) =	sbr.rel @!p3 .LBB2_7-.Ltmp3, $4  }
0x8e: {  	v4 =	vadd.s32 $0x3280, v2;
	v13 =	vbroadcast v5, $0x2;
	v31 =	vbroadcast v5, $0x1  }
0x8f: {  	v7 =	vadd.s32 v2, v6;
	v5 =	vadd.s32 v2, v37;
	v10 =	vadd.s32 v2, v8  }
0x90: {  	v15 =	vadd.s32 v2, v11;
	v8 =	vadd.s32 v4, v8;
	v27 =	vadd.s32 v2, v13  }
0x91: {  	s8 =	sadd.s32 $0xFFFFFFFF, s7;
	p2 =	por $0x0, $0x0;
	v12 =	vadd.s32 v4, v11;
	v38 =	vadd.s32 v2, v31;
	v26 =	vadd.s32 v4, v13;
	v39 =	vld.idx.msk [tilespmem:v9+s6+$0x0], $0xffff  }
0x92: {  	_ =	sdelay $0x2  }
0x93: {  	v9 =	vadd.s32 v4, v14  }
0x94: {  	v14 =	vld.idx.msk [tilespmem:v38+s6+$0x0], $0xffff  }
0x95: {  	v11 =	vadd.s32 v4, v31;
	s7 =	simm.s32 $0x8C58;
	v18 =	vld.idx.msk [tilespmem:v27+s6+$0x0], $0xffff  }
0x96: {  	v20 =	vld [tilespmem:s7+$0x0]  }
0x97: {  	v15 =	vld.idx.msk [tilespmem:v15+s6+$0x0], $0xffff  }
0x98: {  	v16 =	vld.idx.msk [tilespmem:v9+s6+$0x0], $0xffff  }
0x99: {  	v21 =	vld.idx.msk [tilespmem:v26+s6+$0x0], $0xffff  }
0x9a: {  	v23 =	vadd.s32 v4, v6;
	v19 =	vld.idx.msk [tilespmem:v11+s6+$0x0], $0xffff  }
0x9b: {  	v25 =	vld.idx.msk [tilespmem:v10+s6+$0x0], $0xffff;
	v33 =	vadd.s32 v4, v36;
	v9 =	vadd.f32 v39, v3;
	v11 =	vbroadcast v20, $0x6  }
0x9c: {  	v10 =	vadd.s32 v2, v36;
	v12 =	vld.idx.msk [tilespmem:v12+s6+$0x0], $0xffff;
	v13 =	vbroadcast v20, $0x7;
	v6 =	vbroadcast v20, $0x5  }
0x9d: {  	v27 =	vld.idx.msk [tilespmem:v7+s6+$0x0], $0xffff;
	v17 =	vadd.f32 v14, v9;
	v14 =	vbroadcast v20, $0x0;
	v16 =	vadd.f32 v16, v3  }
0x9e: {  	v26 =	vadd.s32 v4, v37;
	v29 =	vld.idx.msk [tilespmem:v8+s6+$0x0], $0xffff;
	v32 =	vbroadcast v20, $0x3;
	v8 =	vbroadcast v20, $0x4  }
0x9f: {  	v35 =	vld.idx.msk [tilespmem:v5+s6+$0x0], $0xffff;
	v18 =	vadd.f32 v18, v17;
	v34 =	vadd.s32 v2, v14;
	v19 =	vadd.f32 v19, v16  }
0xa0: {  	v40 =	vld.idx.msk [tilespmem:v33+s6+$0x0], $0xffff;
	v33 =	vimm.f32 $+Inf;
	v61 =	vbroadcast v20, $0x2;
	v31 =	vbroadcast v20, $0x1  }
0xa1: {  	v20 =	vld.idx.msk [tilespmem:v10+s6+$0x0], $0xffff;
	v7 =	vadd.s32 v2, v6;
	v22 =	vadd.f32 v15, v18;
	v24 =	vadd.f32 v21, v19  }
0xa2: {  	v5 =	vadd.s32 v2, v11;
	v10 =	vadd.s32 v2, v8;
	v8 =	vadd.s32 v4, v8;
	v21 =	vld.idx.msk [tilespmem:v23+s6+$0x0], $0xffff  }
0xa3: {  	v38 =	vadd.s32 v2, v31;
	v25 =	vadd.f32 v25, v22;
	v23 =	vld.idx.msk [tilespmem:v26+s6+$0x0], $0xffff;
	v28 =	vadd.f32 v12, v24  }
0xa4: {  	p3 =	sne.s32 s8, $0x1;
	v15 =	vadd.s32 v2, v32;
	v39 =	vld.idx.msk [tilespmem:v34+s6+$0x0], $0xffff;
	v34 =	vimm.f32 $-Inf;
	v12 =	vmax.f32 v0, v9  }
.Ltmp4:
0xa5: {  	v26 =	vmax.f32 v12, v17;
	v30 =	vadd.f32 v29, v28;
	v29 =	vadd.f32 v27, v25;
	(pc) =	sbr.rel @!p3 .LBB2_9-.Ltmp4, $4  }
0xa6: {  	v12 =	vadd.s32 v4, v32;
	v27 =	vadd.s32 v2, v61;
	v26 =	vmax.f32 v26, v18  }
0xa7: {  	v62 =	vmax.f32 v26, v22;
	v32 =	vadd.f32 v21, v30;
	v21 =	vadd.f32 v35, v29  }
0xa8: {  	v26 =	vadd.s32 v4, v61;
	v63 =	vmax.f32 v62, v25;
	v35 =	vimm.f32 $+Inf  }
0xa9: {  	s8 =	sadd.s32 $0xFFFFFFFF, s8;
	p2 =	por $0x1, $0x1;
	v41 =	vmax.f32 v63, v29;
	v23 =	vadd.f32 v23, v32;
	v20 =	vadd.f32 v20, v21  }
.LBB2_10:
0xaa: {  	p3 =	sne.s32 s8, $0x1;
	v14 =	vadd.s32 v4, v14;
	v31 =	vadd.s32 v4, v31;
	v36 =	vmax.f32 v41, v21  }
0xab: {  	v37 =	vadd.f32 v39, v20;
	v39 =	vadd.f32 v40, v23;
	v36 =	vmax.f32 v36, v20  }
0xac: {  	s7 =	sadd.s32 $0x8, s7;
	v41 =	vmin.f32 v33, v9;
	v33 =	vmax.f32 v34, v16;
	v16 =	vmin.f32 v35, v16  }
0xad: {  	v17 =	vmin.f32 v41, v17;
	v33 =	vmax.f32 v33, v19;
	v16 =	vmin.f32 v16, v19;
	v40 =	vld [tilespmem:s7+$0x0];
	v9 =	vmovc v37  }
0xae: {  	v17 =	vmin.f32 v17, v18;
	v18 =	vmax.f32 v33, v24;
	v16 =	vmin.f32 v16, v24;
	v19 =	vld.idx.msk [tilespmem:v38+s6+$0x0], $0xffff  }
0xaf: {  	v17 =	vmin.f32 v17, v22;
	v18 =	vmax.f32 v18, v28;
	v16 =	vmin.f32 v16, v28;
	v14 =	vld.idx.msk [tilespmem:v14+s6+$0x0], $0xffff  }
0xb0: {  	v17 =	vmin.f32 v17, v25;
	v18 =	vmax.f32 v18, v30;
	v16 =	vmin.f32 v16, v30;
	v22 =	vld.idx.msk [tilespmem:v27+s6+$0x0], $0xffff  }
0xb1: {  	v17 =	vmin.f32 v17, v29;
	v18 =	vmax.f32 v18, v32;
	v16 =	vmin.f32 v16, v32;
	v24 =	vld.idx.msk [tilespmem:v31+s6+$0x0], $0xffff  }
0xb2: {  	v17 =	vmin.f32 v17, v21;
	v18 =	vmax.f32 v18, v23;
	v16 =	vmin.f32 v16, v23;
	v15 =	vld.idx.msk [tilespmem:v15+s6+$0x0], $0xffff  }
0xb3: {  	v33 =	vmin.f32 v17, v20;
	v34 =	vmax.f32 v18, v39;
	v35 =	vmin.f32 v16, v39;
	v21 =	vld.idx.msk [tilespmem:v26+s6+$0x0], $0xffff  }
0xb4: {  	v18 =	vbroadcast v40, $0x6;
	v20 =	vbroadcast v40, $0x7;
	v23 =	vld.idx.msk [tilespmem:v10+s6+$0x0], $0xffff;
	v10 =	vadd.s32 v4, v6  }
0xb5: {  	v25 =	vadd.s32 v2, v13;
	v17 =	vadd.f32 v19, v9;
	v16 =	vadd.f32 v14, v39;
	v12 =	vld.idx.msk [tilespmem:v12+s6+$0x0], $0xffff  }
0xb6: {  	v27 =	vadd.s32 v4, v11;
	v14 =	vbroadcast v40, $0x0;
	v6 =	vbroadcast v40, $0x5;
	v11 =	vmovc v18;
	v26 =	vld.idx.msk [tilespmem:v7+s6+$0x0], $0xffff  }
0xb7: {  	v30 =	vadd.s32 v4, v13;
	v18 =	vadd.f32 v22, v17;
	v19 =	vadd.f32 v24, v16;
	v29 =	vld.idx.msk [tilespmem:v8+s6+$0x0], $0xffff  }
0xb8: {  	v37 =	vbroadcast v40, $0x3;
	v13 =	vmovc v20;
	v32 =	vadd.s32 v2, v14;
	v8 =	vbroadcast v40, $0x4;
	v38 =	vld.idx.msk [tilespmem:v5+s6+$0x0], $0xffff  }
0xb9: {  	v20 =	vbroadcast v40, $0x2;
	v22 =	vadd.f32 v15, v18;
	v24 =	vadd.f32 v21, v19;
	v21 =	vld.idx.msk [tilespmem:v10+s6+$0x0], $0xffff  }
0xba: {  	v31 =	vbroadcast v40, $0x1;
	v7 =	vadd.s32 v2, v6;
	v5 =	vadd.s32 v2, v11;
	v42 =	vld.idx.msk [tilespmem:v25+s6+$0x0], $0xffff  }
0xbb: {  	v10 =	vadd.s32 v2, v8;
	v28 =	vadd.f32 v12, v24;
	v25 =	vadd.f32 v23, v22;
	v23 =	vld.idx.msk [tilespmem:v27+s6+$0x0], $0xffff  }
0xbc: {  	v15 =	vadd.s32 v2, v37;
	v8 =	vadd.s32 v4, v8;
	v12 =	vmax.f32 v36, v9;
	v40 =	vld.idx.msk [tilespmem:v30+s6+$0x0], $0xffff  }
.Ltmp5:
0xbd: {  	v30 =	vadd.f32 v29, v28;
	v29 =	vadd.f32 v26, v25;
	v39 =	vld.idx.msk [tilespmem:v32+s6+$0x0], $0xffff;
	v32 =	vmax.f32 v12, v17;
	(pc) =	sbr.rel @p3 .LBB2_10-.Ltmp5, $4  }
0xbe: {  	v27 =	vadd.s32 v2, v20;
	v12 =	vadd.s32 v4, v37;
	v26 =	vmax.f32 v32, v18  }
0xbf: {  	v32 =	vadd.f32 v21, v30;
	v21 =	vadd.f32 v38, v29;
	v36 =	vmax.f32 v26, v22  }
0xc0: {  	v38 =	vadd.s32 v2, v31;
	v26 =	vadd.s32 v4, v20;
	v20 =	vmax.f32 v36, v25  }
0xc1: {  	s8 =	sadd.s32 $0xFFFFFFFF, s8;
	v23 =	vadd.f32 v23, v32;
	v41 =	vmax.f32 v20, v29;
	v20 =	vadd.f32 v42, v21  }
0xc2: {  	v36 =	vmov v13;
	v37 =	vmov v11  }
.LBB2_12:
0xc3: {  	_ = 	snop  }
0xc4: {  	v11 =	vadd.s32 v4, v14  }
0xc5: {  	v13 =	vadd.s32 v4, v31;
	v14 =	vmax.f32 @p2 v41, v21;
	v55 =	vadd.f32 v39, v20  }
0xc6: {  	v39 =	vadd.f32 @p2 v40, v23;
	v9 =	vmin.f32 @p2 v33, v9;
	v34 =	vmax.f32 @p2 v34, v16  }
0xc7: {  	v56 =	vld.idx.msk [tilespmem:v38+s6+$0x0], $0xffff;
	v16 =	vmin.f32 @p2 v35, v16;
	v6 =	vadd.s32 v4, v6;
	v60 =	vadd.s32 v4, v37  }
0xc8: {  	v2 =	vadd.s32 v2, v36;
	v4 =	vadd.s32 v4, v36;
	v14 =	vmax.f32 @p2 v14, v20  }
0xc9: {  	v57 =	vld.idx.msk [tilespmem:v27+s6+$0x0], $0xffff;
	v9 =	vmin.f32 @p2 v9, v17;
	v17 =	vmax.f32 @p2 v34, v19;
	v16 =	vmin.f32 @p2 v16, v19  }
0xca: {  	v9 =	vmin.f32 @p2 v9, v18;
	v17 =	vmax.f32 @p2 v17, v24;
	v16 =	vmin.f32 @p2 v16, v24  }
0xcb: {  	v15 =	vld.idx.msk [tilespmem:v15+s6+$0x0], $0xffff;
	v3 =	vpsel p2, v39, v3;
	v14 =	vpsel p2, v14, v0;
	v9 =	vmin.f32 @p2 v9, v22  }
0xcc: {  	v16 =	vmin.f32 @p2 v16, v28;
	v9 =	vmin.f32 @p2 v9, v25;
	v11 =	vld.idx.msk [tilespmem:v11+s6+$0x0], $0xffff;
	v59 =	vadd.f32 v56, v55  }
0xcd: {  	v10 =	vld.idx.msk [tilespmem:v10+s6+$0x0], $0xffff;
	v14 =	vmax.f32 v14, v55;
	v16 =	vmin.f32 @p2 v16, v30;
	v9 =	vmin.f32 @p2 v9, v29  }
0xce: {  	v13 =	vld.idx.msk [tilespmem:v13+s6+$0x0], $0xffff;
	v16 =	vmin.f32 @p2 v16, v32;
	v9 =	vmin.f32 @p2 v9, v21;
	v18 =	vadd.f32 v57, v59  }
0xcf: {  	v7 =	vld.idx.msk [tilespmem:v7+s6+$0x0], $0xffff;
	v16 =	vmin.f32 @p2 v16, v23;
	v14 =	vmax.f32 v14, v59;
	v9 =	vmin.f32 @p2 v9, v20  }
0xd0: {  	v58 =	vld.idx.msk [tilespmem:v26+s6+$0x0], $0xffff;
	v16 =	vmin.f32 @p2 v16, v39;
	v9 =	vpsel p2, v9, v1;
	v15 =	vadd.f32 v15, v18  }
0xd1: {  	v5 =	vld.idx.msk [tilespmem:v5+s6+$0x0], $0xffff;
	v1 =	vpsel p2, v16, v1;
	v14 =	vmax.f32 v14, v18;
	v3 =	vadd.f32 v11, v3  }
0xd2: {  	v12 =	vld.idx.msk [tilespmem:v12+s6+$0x0], $0xffff;
	v9 =	vmin.f32 v9, v55;
	v11 =	vmax.f32 @p2 v17, v28;
	v10 =	vadd.f32 v10, v15  }
0xd3: {  	v8 =	vld.idx.msk [tilespmem:v8+s6+$0x0], $0xffff;
	v11 =	vmax.f32 @p2 v11, v30;
	v14 =	vmax.f32 v14, v15;
	v13 =	vadd.f32 v13, v3  }
0xd4: {  	v2 =	vld.idx.msk [tilespmem:v2+s6+$0x0], $0xffff;
	v11 =	vmax.f32 @p2 v11, v32;
	v1 =	vmin.f32 v1, v3;
	v7 =	vadd.f32 v7, v10  }
0xd5: {  	v11 =	vmax.f32 @p2 v11, v23;
	v14 =	vmax.f32 v14, v10;
	v19 =	vadd.f32 v58, v13  }
0xd6: {  	v6 =	vld.idx.msk [tilespmem:v6+s6+$0x0], $0xffff;
	v11 =	vmax.f32 @p2 v11, v39;
	v1 =	vmin.f32 v1, v13;
	v5 =	vadd.f32 v5, v7  }
0xd7: {  	v14 =	vmax.f32 v14, v7;
	v11 =	vpsel p2, v11, v0;
	v12 =	vadd.f32 v12, v19  }
0xd8: {  	v61 =	vld.idx.msk [tilespmem:v60+s6+$0x0], $0xffff;
	v11 =	vmax.f32 v11, v3;
	v3 =	vmin.f32 v9, v59;
	v1 =	vmin.f32 v1, v19  }
0xd9: {  	v2 =	vadd.f32 v2, v5;
	v63 =	vmax.f32 v11, v13;
	v8 =	vadd.f32 v8, v12  }
0xda: {  	v4 =	vld.idx.msk [tilespmem:v4+s6+$0x0], $0xffff;
	v0 =	vmax.f32 v14, v5;
	v3 =	vmin.f32 v3, v18;
	v9 =	vmax.f32 v63, v19  }
0xdb: {  	v3 =	vmin.f32 v3, v15;
	v1 =	vmin.f32 v1, v12;
	v6 =	vadd.f32 v6, v8  }
0xdc: {  	v0 =	vmax.f32 v0, v2;
	v9 =	vmax.f32 v9, v12;
	v3 =	vmin.f32 v3, v10  }
0xdd: {  	vm0 =	vgt.f32 v2, $5.000000000e-01;
	v3 =	vmin.f32 v3, v7;
	v62 =	vadd.f32 v61, v6  }
.Ltmp6:
0xde: {  	v9 =	vmax.f32 v9, v8;
	v1 =	vmin.f32 v1, v8;
	v3 =	vmin.f32 v3, v5;
	(pc) =	sbr.rel .LBB2_13-.Ltmp6, $4  }
0xdf: {  	v7 =	vmax.f32 v9, v6;
	v1 =	vmin.f32 v1, v6;
	v4 =	vadd.f32 v4, v62  }
0xe0: {  	v5 =	vmax.f32 v7, v62;
	v6 =	vmin.f32 v1, v62;
	v7 =	vimm.f32 $0.0e+00  }
0xe1: {  	v1 =	vmin.f32 v3, v2;
	v3 =	vsel vm0, $0x3F800000, v7;
	vm15 =	vgt.f32 v4, $5.000000000e-01  }
0xe2: {  	v2 =	vmax.f32 v5, v4;
	v4 =	vmin.f32 v6, v4;
	v5 =	vsel vm15, $0x3F800000, v7  }
.LBB2_1:
.Ltmp7:
0xe3: {  	(pc) =	sbr.rel .LBB2_29-.Ltmp7, $4  }
0xe4: {  	_ = 	snop  }
0xe5: {  	_ =	strace $0x8000004B  }
0xe6: {  	[bflag:$0x0] =	sbarrier.arrive $0xFFFF  }
0xe7: {  	_ =	strace $0x9000004B  }
.LBB2_5:
0xe8: {  	v5 =	vimm.f32 $0.0e+00;
	v2 =	vimm.f32 $-Inf;
	v4 =	vimm.f32 $+Inf  }
.LBB2_13:
0xe9: {  	_ =	strace $0x9000004A;
	[tilespmem:$0x8290] =	vst v3  }
0xea: {  	[tilespmem:$0x82A0] =	vst v0  }
0xeb: {  	[tilespmem:$0x82B0] =	vst v1;
	s6 =	simm.s32 $0x8290  }
0xec: {  	[spmem:s5] =	stream.linear.scatter [tilespmem:s6], [sflag:$0x2], $0x30, $0x38;
	[tilespmem:$0x91A8] =	vst v63  }
0xed: {  	s5 =	simm.s32 $0x2  }
0xee: {  	_ =	swait.ge [sflag:s5], $0x30  }
0xef: {  	[sflag:s5] =	ssyncset.done $0x0  }
0xf0: {  	[sflag:s5] =	ssyncadd.s32 $0xFFFFFFD0  }
0xf1: {  	[tilespmem:$0x8290] =	vst @!p0 v5  }
0xf2: {  	[tilespmem:$0x82A0] =	vst @!p0 v2  }
0xf3: {  	s6 =	simm.s32 @!p0 $0x8290;
	[tilespmem:$0x82B0] =	vst @!p0 v4  }
0xf4: {  	[spmem:s4] =	stream.linear.scatter @!p0 [tilespmem:s6], [sflag:$0x2], $0x30, $0x38;
	[tilespmem:$0x91A8] =	vst v63  }
0xf5: {  	s4 =	simm.s32 @!p0 $0x2  }
0xf6: {  	_ =	swait.ge @!p0 [sflag:s4], $0x30  }
0xf7: {  	[sflag:s4] =	ssyncset.done @!p0 $0x0  }
0xf8: {  	[sflag:s4] =	ssyncadd.s32 @!p0 $0xFFFFFFD0  }
0xf9: {  	_ =	strace $0x8000004B  }
0xfa: {  	[bflag:$0x0] =	sbarrier.arrive $0xFFFF  }
0xfb: {  	_ =	strace $0x9000004B  }
0xfc: {  	_ =	sfence.sel @p1 $0x180000  }
0xfd: {  	[bflag:$0x0] =	sbarrier.arrive @p1 $0xFFFF  }
0xfe: {  	_ =	strace @p1 $0x90000047  }
0xff: {  	[bflag:$0x2] =	sbarrier.arrive @p1 $0xFFFF  }
0x100: {  	_ =	shalt @p1  }
.LBB2_14:
0x101: {  	s4 =	simm.s32 $0x82C0  }
0x102: {  	[tilespmem:s4], [sflag:$0x2] =	stream.linear.gather [spmem:s3], $0x960, $0x38;
	[tilespmem:$0x91A8] =	vst v63  }
0x103: {  	_ =	swait.ge [sflag:s5], $0x960  }
0x104: {  	[sflag:s5] =	ssyncset.done $0x0  }
0x105: {  	s6 =	simm.s32 $0x0;
	[sflag:s5] =	ssyncadd.s32 $0xFFFFF6A0  }
0x106: {  	v2 =	vld [tilespmem:s6+$0x82E0]  }
0x107: {  	v0 =	vimm.f32 $-Inf;
	v1 =	vimm.f32 $+Inf;
	s3 =	simm.s32 $0x0;
	s5 =	simm.s32 $0xC0;
	v3 =	vld [tilespmem:s6+$0x82D0]  }
.LBB2_15:
0x108: {  	p0 =	sne.s32 s5, $0x1200  }
.Ltmp8:
0x109: {  	_ = 	snop;
	(pc) =	sbr.rel @p0 .LBB2_15-.Ltmp8, $4  }
0x10a: {  	_ = 	snop  }
0x10b: {  	s6 =	sshra.s32 s5, $0x2;
	s5 =	sadd.s32 $0xC0, s5;
	v1 =	vmin.f32 v1, v2  }
0x10c: {  	v2 =	vld [tilespmem:s6+$0x82E0];
	v0 =	vmax.f32 v0, v3  }
0x10d: {  	v3 =	vld [tilespmem:s6+$0x82D0]  }
0x10e: {  	_ =	sdelay $0x2  }
0x10f: {  	v5 =	vimm.s32 $0x0;
	v4 =	vimm.s32 $0x0;
	v1 =	vmin.f32 v1, v2  }
0x110: {  	s5 =	simm.s32 $0x8F70;
	v6 =	vld [tilespmem:s4+$0x0];
	s6 =	simm.s32 $0x10;
	v2 =	vmax.f32 v0, v3;
	v3 =	vimm.s32 $0x0;
	v0 =	vlaneseq.u32  }
.LBB2_17:
0x111: {  	p0 =	sne.s32 s6, $0x180;
	_ =	sdelay $0x3  }
0x112: {  	vm0 =	vgt.f32 v6, $0.0e+00  }
0x113: {  	v6 =	vsel vm0, $0x1, v3;
	v7 =	vmpcnt.ones.xlane vm0  }
0x114: {  	(xrf0) =	vadd.scan.msk.s32 $0xffff, v6  }
0x115: {  	v5 =	vadd.s32 v5, v7;
	_ =	sdelay $0x4  }
0x116: {  	v6, _, _ =	vpop (xrf0)  }
0x117: {  	v6 =	vadd.s32 v6, v4;
	v4 =	vmov v5  }
0x118: {  	v6 =	vadd.s32 $0xFFFFFFFF, v6;
	_ =	sdelay $0x1  }
.Ltmp9:
0x119: {  	(pc) =	sbr.rel @p0 .LBB2_17-.Ltmp9, $4  }
0x11a: {  	_ = 	snop  }
0x11b: {  	v7 =	vor.u32 s3, v0;
	s3 =	smov.u32 s6  }
0x11c: {  	s4 =	sadd.s32 $0x30, s4;
	[tilespmem:v6+s5+$0x0] =	vst.idx.msk vm0, v7  }
0x11d: {  	s6 =	sadd.s32 $0x10, s6;
	v6 =	vld [tilespmem:s4+$0x0]  }
0x11e: {  	_ =	sdelay $0x3  }
0x11f: {  	vm0 =	vgt.f32 v6, $0.0e+00  }
0x120: {  	v6 =	vmpcnt.ones.xlane vm0;
	_ =	sdelay $0x1  }
0x121: {  	v5 =	vadd.s32 v5, v6  }
0x122: {  	(v2sf) =	vpush v5, $0x0;
	_ =	sdelay $0x1  }
0x123: {  	v3 =	vsel vm0, $0x1, v3  }
0x124: {  	(xrf0) =	vadd.scan.msk.s32 $0xffff, v3;
	_ =	sdelay $0x5  }
0x125: {  	v3, _, _ =	vpop (xrf0)  }
0x126: {  	v3 =	vadd.s32 v3, v4  }
0x127: {  	v62 =	vlaneseq.u32;
	v3 =	vadd.s32 $0xFFFFFFFF, v3  }
0x128: {  	(xrf0) =	vmax.scan.msk.f32 $0xffff, v2;
	v2 =	vmul.u32 $0x1A8, v62  }
0x129: {  	(xrf0) =	vmin.scan.msk.f32 $0xffff, v1;
	v1 =	vadd.s32 v62, v5  }
0x12a: {  	v63 =	vadd.s32 $0x190, v2  }
0x12b: {  	v0 =	vor.u32 s3, v0;
	s31 =	spop (v2sf)  }
0x12c: {  	[tilespmem:v3+s5+$0x0] =	vst.idx.msk vm0, v0;
	v0 =	vimm.s32 $0x190;
	s5 =	sadd.s32 $0x7, s31  }
0x12d: {  	s4 =	simm.s32 $0x8F70;
	s5 =	sshrl.u32 s5, $0x3  }
0x12e: {  	s3 =	simm.s32 $0x6810;
	v2 =	vimm.f32 $0.0e+00;
	v3, _, _ =	vpop (xrf0);
	[tilespmem:v1+s4+$0x0] =	vst.idx.msk $0xffff, v0;
	p0 =	seq.s32 s5, $0x0  }
.Ltmp10:
0x12f: {  	s6 =	simm.s32 $0x1;
	[tilespmem:v63+s3+$0x0] =	vst.idx.msk $0xffff, v2;
	v0, _, _ =	vpop (xrf0);
	(pc) =	sbr.rel @p0 .LBB2_28-.Ltmp10, $4  }
0x130: {  	_ =	swait.ge [sflag:s6], $0xFA0  }
0x131: {  	[sflag:s6] =	ssyncset.done $0x0  }
0x132: {  	[sflag:s6] =	ssyncadd.s32 $0xFFFFF060  }
0x133: {  	v1 =	vbroadcast v3, $0xF;
	v0 =	vbroadcast v0, $0xF;
	_ =	strace $0x8000004C  }
0x134: {  	v3 =	vimm.s32 $0xEE8;
	vm0 =	vcmask $0x300  }
0x135: {  	vm8 =	vcmask $0x704;
	v3 =	vsel vm0, $0x0, v3  }
0x136: {  	vm9 =	vcmask $0xB08;
	v3 =	vsel vm8, $0x1A8, v3  }
0x137: {  	vm10 =	vcmask $0xF0C;
	v3 =	vsel vm9, $0x350, v3  }
0x138: {  	vm11 =	vcmask $0x1310;
	p2 =	sne.s32 s5, $0x1;
	v3 =	vsel vm10, $0x4F8, v3  }
.Ltmp11:
0x139: {  	vm12 =	vcmask $0x1714;
	v3 =	vsel vm11, $0x6A0, v3;
	(pc) =	sbr.rel @!p2 .LBB2_20-.Ltmp11, $4  }
0x13a: {  	vm13 =	vcmask $0x1B18;
	v3 =	vsel vm12, $0x848, v3  }
0x13b: {  	vm14 =	vcmask $0x1F1C;
	v3 =	vsel vm13, $0x9F0, v3  }
0x13c: {  	vm15 =	vcmask $0x2320;
	v3 =	vsel vm14, $0xB98, v3  }
0x13d: {  	v13 =	vld [tilespmem:s4+$0x0];
	s4 =	sadd.s32 $0xFFFFFFFF, s5;
	p0 =	por $0x0, $0x0;
	p1 =	por $0x0, $0x0;
	v3 =	vsel vm15, $0xD40, v3  }
0x13e: {  	_ =	sdelay $0x3  }
0x13f: {  	v4 =	vbroadcast v13, $0x0;
	_ =	sdelay $0x1  }
0x140: {  	v5 =	vbroadcast v13, $0x1;
	v4 =	vadd.s32 v3, v4  }
0x141: {  	v6 =	vbroadcast v13, $0x2  }
0x142: {  	v5 =	vadd.s32 v3, v5  }
0x143: {  	p2 =	sne.s32 s4, $0x1;
	v10 =	vadd.s32 v3, v6  }
.Ltmp12:
0x144: {  	_ = 	snop;
	(pc) =	sbr.rel @!p2 .LBB2_22-.Ltmp12, $4  }
0x145: {  	s5 =	simm.s32 $0x8F78;
	v7 =	vld.idx.msk [tilespmem:v4+s3+$0x0], $0xffff  }
0x146: {  	v9 =	vbroadcast v13, $0x3;
	v11 =	vbroadcast v13, $0x4;
	v4 =	vld [tilespmem:s5+$0x0]  }
0x147: {  	v6 =	vbroadcast v13, $0x5;
	v8 =	vld.idx.msk [tilespmem:v5+s3+$0x0], $0xffff  }
0x148: {  	p0 =	por $0x1, $0x1;
	v9 =	vadd.s32 v3, v9;
	v11 =	vadd.s32 v3, v11;
	v5 =	vbroadcast v13, $0x6;
	s5 =	sadd.s32 $0xFFFFFFFF, s4;
	v12 =	vld.idx.msk [tilespmem:v10+s3+$0x0], $0xffff  }
0x149: {  	_ =	sdelay $0x2  }
0x14a: {  	v6 =	vadd.s32 v3, v6;
	v7 =	vadd.f32 v7, v2  }
0x14b: {  	v9 =	vld.idx.msk [tilespmem:v9+s3+$0x0], $0xffff  }
0x14c: {  	v10 =	vadd.s32 v3, v5;
	v5 =	vbroadcast v13, $0x7;
	v8 =	vadd.f32 v8, v7  }
0x14d: {  	v11 =	vld.idx.msk [tilespmem:v11+s3+$0x0], $0xffff  }
0x14e: {  	v13 =	vbroadcast v4, $0x0;
	v14 =	vadd.s32 v3, v5;
	v12 =	vadd.f32 v12, v8  }
0x14f: {  	v15 =	vld.idx.msk [tilespmem:v6+s3+$0x0], $0xffff;
	v6 =	vbroadcast v4, $0x1  }
0x150: {  	v18 =	vbroadcast v4, $0x3;
	v13 =	vadd.s32 v3, v13;
	v16 =	vadd.f32 v9, v12  }
0x151: {  	v19 =	vbroadcast v4, $0x4;
	v10 =	vld.idx.msk [tilespmem:v10+s3+$0x0], $0xffff;
	v17 =	vadd.s32 v3, v6;
	v9 =	vbroadcast v4, $0x2  }
0x152: {  	v5 =	vbroadcast v4, $0x6;
	v6 =	vbroadcast v4, $0x5;
	v20 =	vadd.f32 v11, v16  }
0x153: {  	p2 =	sne.s32 s5, $0x1;
	v14 =	vld.idx.msk [tilespmem:v14+s3+$0x0], $0xffff;
	v21 =	vadd.s32 v3, v9;
	v9 =	vmax.f32 v1, v7;
	v7 =	vmin.f32 v0, v7  }
.Ltmp13:
0x154: {  	v11 =	vmax.f32 v9, v8;
	v8 =	vmin.f32 v7, v8;
	v22 =	vadd.f32 v15, v20;
	(pc) =	sbr.rel @!p2 .LBB2_24-.Ltmp13, $4  }
0x155: {  	v7 =	vld.idx.msk [tilespmem:v13+s3+$0x0], $0xffff;
	v9 =	vadd.s32 v3, v18;
	v11 =	vmax.f32 v11, v12;
	v12 =	vmin.f32 v8, v12  }
0x156: {  	s4 =	simm.s32 $0x8F80;
	v8 =	vld.idx.msk [tilespmem:v17+s3+$0x0], $0xffff;
	v13 =	vmax.f32 v11, v16;
	v12 =	vmin.f32 v12, v16;
	v10 =	vadd.f32 v10, v22  }
0x157: {  	v17 =	vld [tilespmem:s4+$0x0];
	v11 =	vadd.s32 v3, v19;
	v13 =	vmax.f32 v13, v20;
	v16 =	vmin.f32 v12, v20  }
0x158: {  	s5 =	sadd.s32 $0xFFFFFFFF, s5;
	p1 =	por $0x1, $0x1;
	v12 =	vld.idx.msk [tilespmem:v21+s3+$0x0], $0xffff;
	v15 =	vmax.f32 v13, v22;
	v16 =	vmin.f32 v16, v22;
	v14 =	vadd.f32 v14, v10  }
.LBB2_25:
0x159: {  	p2 =	sne.s32 s5, $0x1;
	v6 =	vadd.s32 v3, v6;
	v13 =	vmax.f32 v15, v10;
	v10 =	vmin.f32 v16, v10  }
0x15a: {  	v7 =	vadd.f32 v7, v14;
	v9 =	vld.idx.msk [tilespmem:v9+s3+$0x0], $0xffff;
	v13 =	vmax.f32 v13, v14;
	v10 =	vmin.f32 v10, v14  }
0x15b: {  	v14 =	vadd.s32 v3, v5;
	v5 =	vbroadcast v4, $0x7  }
0x15c: {  	v8 =	vadd.f32 v8, v7;
	v11 =	vld.idx.msk [tilespmem:v11+s3+$0x0], $0xffff;
	v4 =	vmov v17  }
0x15d: {  	v16 =	vadd.s32 v3, v5;
	v15 =	vbroadcast v4, $0x0  }
0x15e: {  	v12 =	vadd.f32 v12, v8;
	v17 =	vld.idx.msk [tilespmem:v6+s3+$0x0], $0xffff  }
0x15f: {  	v6 =	vbroadcast v4, $0x1;
	v15 =	vadd.s32 v3, v15  }
0x160: {  	v5 =	vbroadcast v4, $0x6;
	v18 =	vadd.f32 v9, v12;
	v14 =	vld.idx.msk [tilespmem:v14+s3+$0x0], $0xffff  }
0x161: {  	v19 =	vadd.s32 v3, v6;
	v9 =	vbroadcast v4, $0x2;
	v6 =	vbroadcast v4, $0x5  }
0x162: {  	v20 =	vbroadcast v4, $0x3;
	v21 =	vbroadcast v4, $0x4;
	v22 =	vadd.f32 v11, v18;
	v23 =	vld.idx.msk [tilespmem:v16+s3+$0x0], $0xffff  }
0x163: {  	v10 =	vmin.f32 v10, v7;
	v16 =	vadd.s32 v3, v9;
	v9 =	vmax.f32 v13, v7  }
.Ltmp14:
0x164: {  	v11 =	vmax.f32 v9, v8;
	v8 =	vmin.f32 v10, v8;
	v7 =	vld.idx.msk [tilespmem:v15+s3+$0x0], $0xffff;
	v13 =	vadd.f32 v17, v22;
	(pc) =	sbr.rel @p2 .LBB2_25-.Ltmp14, $4  }
0x165: {  	v9 =	vadd.s32 v3, v20;
	v10 =	vmax.f32 v11, v12;
	v11 =	vmin.f32 v8, v12  }
0x166: {  	s4 =	sadd.s32 $0x8, s4;
	v12 =	vmax.f32 v10, v18;
	v15 =	vmin.f32 v11, v18;
	v8 =	vld.idx.msk [tilespmem:v19+s3+$0x0], $0xffff;
	v10 =	vadd.f32 v14, v13  }
0x167: {  	v11 =	vadd.s32 v3, v21;
	v14 =	vmax.f32 v12, v22;
	v18 =	vmin.f32 v15, v22;
	v17 =	vld [tilespmem:s4+$0x0]  }
0x168: {  	s5 =	sadd.s32 $0xFFFFFFFF, s5;
	v15 =	vmax.f32 v14, v13;
	v12 =	vld.idx.msk [tilespmem:v16+s3+$0x0], $0xffff;
	v16 =	vmin.f32 v18, v13;
	v14 =	vadd.f32 v23, v10  }
0x169: {  	_ =	sdelay $0x2  }
0x16a: {  	v13 =	vmov v4;
	v4 =	vmov v17  }
.LBB2_27:
0x16b: {  	_ =	sdelay $0x2  }
0x16c: {  	v6 =	vadd.s32 @p0 v3, v6;
	v7 =	vadd.f32 @p0 v7, v14  }
0x16d: {  	v9 =	vld.idx.msk @p0 [tilespmem:v9+s3+$0x0], $0xffff  }
0x16e: {  	v5 =	vadd.s32 @p0 v3, v5;
	v13 =	vbroadcast @p0 v13, $0x7;
	v8 =	vadd.f32 @p0 v8, v7  }
0x16f: {  	v11 =	vld.idx.msk @p0 [tilespmem:v11+s3+$0x0], $0xffff  }
0x170: {  	v13 =	vadd.s32 @p0 v3, v13;
	v12 =	vadd.f32 @p0 v12, v8  }
0x171: {  	v17 =	vbroadcast v4, $0x0;
	v6 =	vld.idx.msk @p0 [tilespmem:v6+s3+$0x0], $0xffff  }
0x172: {  	v9 =	vadd.f32 @p0 v9, v12  }
0x173: {  	v18 =	vbroadcast v4, $0x1;
	v17 =	vadd.s32 v3, v17;
	v5 =	vld.idx.msk @p0 [tilespmem:v5+s3+$0x0], $0xffff  }
0x174: {  	v11 =	vadd.f32 @p0 v11, v9  }
0x175: {  	v19 =	vbroadcast v4, $0x2;
	v18 =	vadd.s32 v3, v18;
	v13 =	vld.idx.msk @p0 [tilespmem:v13+s3+$0x0], $0xffff  }
0x176: {  	v15 =	vmax.f32 @p1 v15, v10;
	v6 =	vadd.f32 @p0 v6, v11  }
0x177: {  	v10 =	vmin.f32 @p1 v16, v10;
	v48 =	vbroadcast v4, $0x3;
	v49 =	vadd.s32 v3, v19  }
0x178: {  	v50 =	vbroadcast v4, $0x6;
	v21 =	vbroadcast v4, $0x4;
	v17 =	vld.idx.msk [tilespmem:v17+s3+$0x0], $0xffff;
	v5 =	vadd.f32 @p0 v5, v6  }
0x179: {  	v15 =	vmax.f32 @p1 v15, v14;
	v10 =	vmin.f32 @p1 v10, v14;
	v14 =	vadd.s32 v3, v48  }
0x17a: {  	v20 =	vbroadcast v4, $0x5;
	v56 =	vbroadcast v4, $0x7;
	v18 =	vld.idx.msk [tilespmem:v18+s3+$0x0], $0xffff;
	v13 =	vadd.f32 @p0 v13, v5  }
0x17b: {  	v15 =	vpsel p1, v15, v1;
	v10 =	vpsel p1, v10, v0;
	v51 =	vadd.s32 v3, v21  }
0x17c: {  	v53 =	vadd.s32 v3, v20;
	v15 =	vmax.f32 @p0 v15, v7;
	v52 =	vld.idx.msk [tilespmem:v49+s3+$0x0], $0xffff;
	v2 =	vpsel p0, v13, v2  }
0x17d: {  	v7 =	vmin.f32 @p0 v10, v7;
	v10 =	vmax.f32 @p0 v15, v8;
	v13 =	vadd.f32 v17, v2  }
0x17e: {  	v55 =	vadd.s32 v3, v50;
	v7 =	vmin.f32 @p0 v7, v8;
	v8 =	vmax.f32 @p0 v10, v12;
	v54 =	vld.idx.msk [tilespmem:v14+s3+$0x0], $0xffff  }
0x17f: {  	v7 =	vmin.f32 @p0 v7, v12;
	v8 =	vmax.f32 @p0 v8, v9;
	v57 =	vadd.f32 v18, v13  }
0x180: {  	v3 =	vadd.s32 v3, v56;
	v58 =	vld.idx.msk [tilespmem:v51+s3+$0x0], $0xffff;
	v7 =	vmin.f32 @p0 v7, v9;
	v8 =	vmax.f32 @p0 v8, v11  }
0x181: {  	v7 =	vmin.f32 @p0 v7, v11;
	v8 =	vmax.f32 @p0 v8, v6;
	v59 =	vadd.f32 v52, v57  }
0x182: {  	v60 =	vld.idx.msk [tilespmem:v53+s3+$0x0], $0xffff;
	v6 =	vmin.f32 @p0 v7, v6;
	v7 =	vpsel p0, v8, v0  }
0x183: {  	v6 =	vpsel p0, v6, v0;
	v5 =	vpsel p0, v5, v0;
	v9 =	vadd.f32 v54, v59  }
0x184: {  	v61 =	vld.idx.msk [tilespmem:v55+s3+$0x0], $0xffff;
	v7 =	vmax.f32 @p0 v7, v5;
	v5 =	vmin.f32 @p0 v6, v5  }
0x185: {  	v6 =	vmax.f32 @p0 v7, v2;
	v2 =	vmin.f32 @p0 v5, v2;
	v62 =	vadd.f32 v58, v9  }
0x186: {  	v3 =	vld.idx.msk [tilespmem:v3+s3+$0x0], $0xffff;
	v1 =	vpsel p0, v6, v1;
	v0 =	vpsel p0, v2, v0  }
0x187: {  	v1 =	vmax.f32 v1, v13;
	v0 =	vmin.f32 v0, v13;
	v2 =	vadd.f32 v60, v62  }
0x188: {  	v1 =	vmax.f32 v1, v57;
	v0 =	vmin.f32 v0, v57  }
0x189: {  	v1 =	vmax.f32 v1, v59;
	v0 =	vmin.f32 v0, v59;
	v63 =	vadd.f32 v61, v2  }
0x18a: {  	v1 =	vmax.f32 v1, v9;
	v0 =	vmin.f32 v0, v9  }
0x18b: {  	v1 =	vmax.f32 v1, v62;
	v0 =	vmin.f32 v0, v62;
	v3 =	vadd.f32 v3, v63  }
0x18c: {  	v1 =	vmax.f32 v1, v2;
	v0 =	vmin.f32 v0, v2;
	v2 =	vimm.f32 $0.0e+00  }
0x18d: {  	v1 =	vmax.f32 v1, v63;
	v0 =	vmin.f32 v0, v63;
	vm0 =	vgt.f32 v3, $5.000000000e-01  }
0x18e: {  	v1 =	vmax.f32 v1, v3;
	v0 =	vmin.f32 v0, v3;
	v2 =	vsel vm0, $0x3F800000, v2  }
.LBB2_28:
0x18f: {  	vm0 =	vmmov $0x3ff  }
0x190: {  	_ =	strace $0x9000004C;
	v1 =	vnsel vm0, $0xFF800000, v1  }
0x191: {  	v0 =	vnsel vm0, $0x7F800000, v0;
	(xrf0) =	vmax.scan.msk.f32 $0xffff, v1  }
0x192: {  	(xrf0) =	vmin.scan.msk.f32 $0xffff, v0;
	_ =	sdelay $0x4  }
0x193: {  	v62, _, _ =	vpop (xrf0)  }
0x194: {  	v63, _, _ =	vpop (xrf0);
	v0 =	vbroadcast v62, $0xF  }
0x195: {  	[tilespmem:$0x8C20] =	vst v2;
	v1 =	vbroadcast v63, $0xF  }
0x196: {  	[tilespmem:$0x8C30] =	vst v0  }
0x197: {  	s3 =	simm.s32 $0x0;
	s4 =	simm.s32 $0x8C20;
	s31 =	simm.s32 $0x2;
	[tilespmem:$0x8C40] =	vst v1  }
0x198: {  	[hbm4b:s2+s3] =	stream.linear.scatter [tilespmem:s4], [sflag:$0x2], $0x30, $0x38;
	[tilespmem:$0x91A8] =	vst v63  }
0x199: {  	_ =	swait.ge [sflag:s31], $0x30  }
0x19a: {  	[sflag:s31] =	ssyncset.done $0x0  }
0x19b: {  	[sflag:s31] =	ssyncadd.s32 $0xFFFFFFD0  }
.LBB2_29:
0x19c: {  	_ =	sfence.sel $0x180000  }
0x19d: {  	[bflag:$0x0] =	sbarrier.arrive $0xFFFF  }
0x19e: {  	p0 =	sne.s32 s1, $0x0;
	_ =	strace $0x90000047  }
0x19f: {  	s0 =	sadd.s32 @!p0 $0x100000, s0;
	[bflag:$0x2] =	sbarrier.arrive $0xFFFF  }
0x1a0: {  	[sflag:s0] =	ssyncadd.tile.s32 @!p0 $0x1;
	_ =	shalt  }
.LBB2_7:
.Ltmp15:
0x1a1: {  	(pc) =	sbr.rel .LBB2_12-.Ltmp15, $3  }
0x1a2: {  	_ =	sdelay $0x1  }
0x1a3: {  	v20 =	vimm.f32 $0.0e+00  }
0x1a4: {  	v33 =	vimm.f32 $+Inf;
	v34 =	vimm.f32 $-Inf;
	v35 =	vimm.f32 $+Inf  }
.LBB2_20:
.Ltmp16:
0x1a5: {  	_ = 	snop;
	(pc) =	sbr.rel .LBB2_27-.Ltmp16, $2  }
0x1a6: {  	_ =	sdelay $0x2  }
0x1a7: {  	v14 =	vimm.f32 $0.0e+00;
	v4 =	vmov v13  }
.LBB2_9:
.Ltmp17:
0x1a8: {  	(pc) =	sbr.rel .LBB2_12-.Ltmp17, $2  }
0x1a9: {  	_ =	sdelay $0x2  }
0x1aa: {  	v33 =	vimm.f32 $+Inf;
	v34 =	vimm.f32 $-Inf;
	v35 =	vimm.f32 $+Inf;
	v36 =	vmovc v13;
	v37 =	vmovc v11  }
.LBB2_22:
.Ltmp18:
0x1ab: {  	(pc) =	sbr.rel .LBB2_27-.Ltmp18, $2  }
0x1ac: {  	_ =	sdelay $0x2  }
0x1ad: {  	v14 =	vimm.f32 $0.0e+00  }
.LBB2_24:
.Ltmp19:
0x1ae: {  	(pc) =	sbr.rel .LBB2_27-.Ltmp19, $2  }
0x1af: {  	_ =	sdelay $0x2  }
0x1b0: {  	v13 =	vmov v4;
	v4 =	vmov v17  }
.Lfunc_end2:
_tile_overlayer_lowered:
.L_overlay_start_2:
0x1b1: {  	(tag) =	ssettag $0x2  }
0x1b2: {  	s0 =	rddreg [dreg:$0x0];
	s2 =	stileid.u32  }
0x1b3: {  	s1 =	rddreg [dreg:$0x1];
	p0 =	sne.s32 s2, $0x0  }
0x1b4: {  	s3 =	rddreg [dreg:$0x2];
	[bflag:$0x3] =	sbarrier.arrive $0xFFFF;
	s2 =	simm.s32 @!p0 $0x1C02  }
0x1b5: {  	[timem:s3], [sflag:s2] =	dma.local @!p0 [hbm:s0], s1  }
0x1b6: {  	s0 =	simm.s32 @!p0 $0x2  }
0x1b7: {  	_ =	swait.ge @!p0 [sflag:s0], s1  }
0x1b8: {  	s1 =	ssub.s32 @!p0 $0x0, s1;
	[sflag:s0] =	ssyncset.done @!p0 $0x0  }
0x1b9: {  	[sflag:s0] =	ssyncadd.s32 @!p0 s1  }
0x1ba: {  	[bflag:$0x3] =	sbarrier.arrive $0xFFFF  }
0x1bb: {  	_ =	shalt  }

</sc_bundles>
